<compile_context>
chip_gen: v7x
topology: tpu7x:2x2x1
jax: 0.10.2.dev20260603
libtpu: 0.0.44.dev20260713+nightly
codegen_flags: <defaults>
</compile_context>

<pallas_src>
import functools

import jax
import jax.numpy as jnp
from jax import lax
from jax.experimental import pallas as pl
from jax.experimental.pallas import tpu as pltpu
from jax.experimental.pallas import tpu_sc as plsc

N_NODES = 10000
N_PAD = 10240
D = 128
DD = 16
E = 320000
NC, NS = 2, 16
NW = NC * NS
CHUNK = 128
NROWS = E // CHUNK
NCHUNK = NROWS // NW
NXTRA = NROWS - NW * NCHUNK
NBUF = 2
NIB = 4
ROWS_PER_TILE = N_PAD // NS


def _sc_aggregate(x, src_r, dst_r, zeros_a, zeros_d, ones_r):
    mesh = plsc.VectorSubcoreMesh(core_axis_name="c", subcore_axis_name="s")

    @functools.partial(
        pl.kernel,
        out_type=(jax.ShapeDtypeStruct((NC, N_PAD, D), jnp.float32),
                  jax.ShapeDtypeStruct((NC, N_PAD, DD), jnp.int16)),
        mesh=mesh,
        compiler_params=pltpu.CompilerParams(use_tc_tiling_on_sc=False),
        scratch_types=[
            pltpu.VMEM_SHARED((N_PAD, D), jnp.float32),
            pltpu.VMEM_SHARED((N_PAD, DD), jnp.int16),
            pltpu.VMEM((CHUNK, DD), jnp.int16),
        ]
        + [pltpu.VMEM((CHUNK,), jnp.int32) for _ in range(NIB)]
        + [pltpu.VMEM((CHUNK,), jnp.int32) for _ in range(NIB)]
        + [pltpu.VMEM((CHUNK, D), jnp.float32) for _ in range(NBUF)]
        + [pltpu.SemaphoreType.DMA for _ in range(2 * NIB + NBUF + 1)],
    )
    def k(x_hbm, src_hbm, dst_hbm, za_hbm, zd_hbm, ones_hbm,
          agg_hbm, deg_hbm, acc, dacc, ones_v, *bufs_sems):
        sbuf = bufs_sems[:NIB]
        dbuf = bufs_sems[NIB:2 * NIB]
        rows = bufs_sems[2 * NIB:2 * NIB + NBUF]
        isem = bufs_sems[2 * NIB + NBUF:3 * NIB + NBUF]
        dsem = bufs_sems[3 * NIB + NBUF:4 * NIB + NBUF]
        gsem = bufs_sems[4 * NIB + NBUF:4 * NIB + 2 * NBUF]
        osem = bufs_sems[-1]
        c = lax.axis_index("c")
        s = lax.axis_index("s")
        w = s * NC + c
        last = NROWS - 1

        def erow(j, clamp=False):
            r = w + NW * j
            return jnp.minimum(r, last) if clamp else r

        for t in range(NIB):
            pltpu.async_copy(src_hbm.at[erow(t)], sbuf[t], isem[t])
            pltpu.async_copy(dst_hbm.at[erow(t)], dbuf[t], dsem[t])
        pltpu.sync_copy(za_hbm, acc.at[pl.ds(s * ROWS_PER_TILE, ROWS_PER_TILE)])
        pltpu.sync_copy(zd_hbm, dacc.at[pl.ds(s * ROWS_PER_TILE, ROWS_PER_TILE)])
        pltpu.sync_copy(ones_hbm, ones_v)
        for t in range(NBUF):
            pltpu.make_async_copy(src_hbm.at[erow(t)], sbuf[t], isem[t]).wait()
            pltpu.async_copy(x_hbm.at[sbuf[t]], rows[t], gsem[t])
        plsc.subcore_barrier()

        def chunk_step(j, b, fire_idx, fire_gather, clamp=False):
            rb = b % NBUF
            pltpu.make_async_copy(dst_hbm.at[erow(j)], dbuf[b], dsem[b]).wait()
            pltpu.make_async_copy(x_hbm.at[sbuf[b]], rows[rb], gsem[rb]).wait()
            pltpu.sync_copy(rows[rb], acc.at[dbuf[b]], add=True)
            pltpu.sync_copy(ones_v, dacc.at[dbuf[b]], add=True)
            if fire_idx:
                r = erow(j + NIB, clamp)
                pltpu.async_copy(src_hbm.at[r], sbuf[b], isem[b])
                pltpu.async_copy(dst_hbm.at[r], dbuf[b], dsem[b])
            if fire_gather:
                b2 = (b + NBUF) % NIB
                pltpu.make_async_copy(src_hbm.at[erow(j + NBUF, clamp)],
                                      sbuf[b2], isem[b2]).wait()
                pltpu.async_copy(x_hbm.at[sbuf[b2]], rows[rb], gsem[rb])

        def ring(g, carry):
            for b in range(NIB):
                chunk_step(g * NIB + b, b, True, True)
            return carry

        main_end = ((NCHUNK - NIB) // NIB) * NIB
        lax.fori_loop(0, main_end // NIB, ring, 0)
        for j in range(main_end, NCHUNK):
            chunk_step(j, j % NIB, j + NIB <= NCHUNK, j + NBUF <= NCHUNK,
                       clamp=True)

        bx = NCHUNK % NIB
        rbx = bx % NBUF
        pltpu.make_async_copy(dst_hbm.at[erow(NCHUNK, True)], dbuf[bx],
                              dsem[bx]).wait()
        pltpu.make_async_copy(x_hbm.at[sbuf[bx]], rows[rbx], gsem[rbx]).wait()

        @pl.when(w >= NXTRA)
        def _():
            for kk in range(CHUNK // 16):
                dbuf[bx][pl.ds(kk * 16, 16)] = (
                    N_NODES + kk * 16 + lax.iota(jnp.int32, 16))

        pltpu.sync_copy(rows[rbx], acc.at[dbuf[bx]], add=True)
        pltpu.sync_copy(ones_v, dacc.at[dbuf[bx]], add=True)

        plsc.subcore_barrier()
        pltpu.async_copy(
            acc.at[pl.ds(s * ROWS_PER_TILE, ROWS_PER_TILE)],
            agg_hbm.at[c, pl.ds(s * ROWS_PER_TILE, ROWS_PER_TILE)],
            osem,
        )
        pltpu.sync_copy(
            dacc.at[pl.ds(s * ROWS_PER_TILE, ROWS_PER_TILE)],
            deg_hbm.at[c, pl.ds(s * ROWS_PER_TILE, ROWS_PER_TILE)],
        )
        pltpu.make_async_copy(
            acc.at[pl.ds(s * ROWS_PER_TILE, ROWS_PER_TILE)],
            agg_hbm.at[c, pl.ds(s * ROWS_PER_TILE, ROWS_PER_TILE)],
            osem,
        ).wait()

    return k(x, src_r, dst_r, zeros_a, zeros_d, ones_r)


BLK = 2000


def _tc_tail(agg, deg, x, W_l, W_r, b_l2d):
    def body(a0_ref, a1_ref, d0_ref, d1_ref, x_ref, wl_ref, wr_ref, b_ref, o_ref):
        p = a0_ref[0] + a1_ref[0]
        d = (d0_ref[0][:, 0:1] + d1_ref[0][:, 0:1]).astype(jnp.float32)
        mean = p / jnp.maximum(d, 1.0)
        h = (jnp.dot(mean, wl_ref[...], preferred_element_type=jnp.float32)
             + b_ref[...]
             + jnp.dot(x_ref[...], wr_ref[...], preferred_element_type=jnp.float32))
        h = jnp.maximum(h, 0.0)
        n = jnp.sqrt(jnp.sum(h * h, axis=1, keepdims=True))
        o_ref[...] = h / (n + 1e-9)

    return pl.pallas_call(
        body,
        grid=(N_NODES // BLK,),
        in_specs=[
            pl.BlockSpec((1, BLK, D), lambda i: (0, i, 0)),
            pl.BlockSpec((1, BLK, D), lambda i: (1, i, 0)),
            pl.BlockSpec((1, BLK, DD), lambda i: (0, i, 0)),
            pl.BlockSpec((1, BLK, DD), lambda i: (1, i, 0)),
            pl.BlockSpec((BLK, D), lambda i: (i, 0)),
            pl.BlockSpec((D, D), lambda i: (0, 0)),
            pl.BlockSpec((D, D), lambda i: (0, 0)),
            pl.BlockSpec((1, D), lambda i: (0, 0)),
        ],
        out_specs=pl.BlockSpec((BLK, D), lambda i: (i, 0)),
        out_shape=jax.ShapeDtypeStruct((N_NODES, D), jnp.float32),
    )(agg, agg, deg, deg, x, W_l, W_r, b_l2d)


def kernel(x, edge_index, W_l, W_r, b_l):
    ei = edge_index.astype(jnp.int32)
    src_r = ei[0].reshape(NROWS, CHUNK)
    dst_r = ei[1].reshape(NROWS, CHUNK)
    zeros_a = jnp.zeros((ROWS_PER_TILE, D), jnp.float32)
    zeros_d = jnp.zeros((ROWS_PER_TILE, DD), jnp.int16)
    ones_r = jnp.ones((CHUNK, DD), jnp.int16)
    agg, deg = _sc_aggregate(x, src_r, dst_r, zeros_a, zeros_d, ones_r)
    return _tc_tail(agg, deg, x, W_l, W_r, b_l.reshape(1, D))

# --- scband reference (transcript-rebuilt; emitter-appended) ---
"""Pipeline reference for scband-sageblock-28312424415601 (READ-ONLY COPY).

The authoritative reference and input builder live on the scoring server;
editing this copy changes nothing except your own understanding.
"""

import jax, jax.numpy as jnp
import numpy as np

N_NODES = 10000
N_EDGES = 320000
D_IN = 128
D_OUT = 128


def setup_inputs(seed: int = 0) -> dict:
    key = jax.random.key(seed)
    k1, k2, k3, k4, k5 = jax.random.split(key, 5)
    x = jax.random.normal(k1, (N_NODES, D_IN), dtype=jnp.float32)
    edge_index = jax.random.randint(k2, (2, N_EDGES), 0, N_NODES, dtype=jnp.int64)
    # SAGEConv params: lin_l (applied to aggregated neighbor mean, has bias),
    # lin_r (applied to root/self features, no bias) -- PyG convention.
    W_l = jax.random.normal(k3, (D_IN, D_OUT), dtype=jnp.float32) * (1.0 / np.sqrt(D_IN))
    W_r = jax.random.normal(k4, (D_IN, D_OUT), dtype=jnp.float32) * (1.0 / np.sqrt(D_IN))
    b_l = jax.random.normal(k5, (D_OUT,), dtype=jnp.float32) * 0.01
    return {"x": x, "edge_index": edge_index, "W_l": W_l, "W_r": W_r, "b_l": b_l}


def reference(x, edge_index, W_l, W_r, b_l):
    src = edge_index[0]
    dst = edge_index[1]
    # mean aggregation of neighbor (source) features onto destination nodes
    msgs = jnp.take(x, src, axis=0)                                   # [E, D_IN] gather
    agg_sum = jax.ops.segment_sum(msgs, dst, num_segments=N_NODES)    # [N, D_IN] scatter-add
    deg = jax.ops.segment_sum(jnp.ones((src.shape[0],), dtype=x.dtype), dst, num_segments=N_NODES)
    agg_mean = agg_sum / jnp.clip(deg, 1.0, None)[:, None]
    # SAGEConv: lin_l(agg) + lin_r(x)
    out = agg_mean @ W_l + b_l + x @ W_r
    # ReLU
    out = jax.nn.relu(out)
    # L2 normalize rows
    out = out / (jnp.linalg.norm(out, axis=-1, keepdims=True) + 1e-09)
    return out

if __name__ == "__main__":
    import jax
    _d = setup_inputs()
    print(jax.jit(kernel)(*tuple(_d.values())))

</pallas_src>

<mosaic_0001>
#map = affine_map<(d0, d1) -> (0, 0)>
#map1 = affine_map<(d0, d1) -> (0, 0, 0)>
module attributes {stable_mosaic.version = 14 : i64} {
  func.func @k(%arg0: i32, %arg1: i32, %arg2: memref<10000x128xf32, #tpu.memory_space<hbm>>, %arg3: memref<2500x128xi32, #tpu.memory_space<hbm>>, %arg4: memref<2500x128xi32, #tpu.memory_space<hbm>>, %arg5: memref<640x128xf32, #tpu.memory_space<hbm>>, %arg6: memref<640x16xi16, #tpu.memory_space<hbm>>, %arg7: memref<128x16xi16, #tpu.memory_space<hbm>>, %arg8: memref<2x10240x128xf32, #tpu.memory_space<hbm>>, %arg9: memref<2x10240x16xi16, #tpu.memory_space<hbm>>, %arg10: memref<10240x128xf32, #tpu.memory_space<vmem_shared>>, %arg11: memref<10240x16xi16, #tpu.memory_space<vmem_shared>>, %arg12: memref<128x16xi16, #tpu.memory_space<vmem>>, %arg13: memref<128xi32, #tpu.memory_space<vmem>>, %arg14: memref<128xi32, #tpu.memory_space<vmem>>, %arg15: memref<128xi32, #tpu.memory_space<vmem>>, %arg16: memref<128xi32, #tpu.memory_space<vmem>>, %arg17: memref<128xi32, #tpu.memory_space<vmem>>, %arg18: memref<128xi32, #tpu.memory_space<vmem>>, %arg19: memref<128xi32, #tpu.memory_space<vmem>>, %arg20: memref<128xi32, #tpu.memory_space<vmem>>, %arg21: memref<128x128xf32, #tpu.memory_space<vmem>>, %arg22: memref<128x128xf32, #tpu.memory_space<vmem>>, %arg23: memref<!tpu.dma_semaphore, #tpu.memory_space<semaphore_mem>>, %arg24: memref<!tpu.dma_semaphore, #tpu.memory_space<semaphore_mem>>, %arg25: memref<!tpu.dma_semaphore, #tpu.memory_space<semaphore_mem>>, %arg26: memref<!tpu.dma_semaphore, #tpu.memory_space<semaphore_mem>>, %arg27: memref<!tpu.dma_semaphore, #tpu.memory_space<semaphore_mem>>, %arg28: memref<!tpu.dma_semaphore, #tpu.memory_space<semaphore_mem>>, %arg29: memref<!tpu.dma_semaphore, #tpu.memory_space<semaphore_mem>>, %arg30: memref<!tpu.dma_semaphore, #tpu.memory_space<semaphore_mem>>, %arg31: memref<!tpu.dma_semaphore, #tpu.memory_space<semaphore_mem>>, %arg32: memref<!tpu.dma_semaphore, #tpu.memory_space<semaphore_mem>>, %arg33: memref<!tpu.dma_semaphore, #tpu.memory_space<semaphore_mem>>) attributes {dimension_semantics = [#tpu.dimension_semantics<core_parallel>, #tpu.dimension_semantics<subcore_parallel>], iteration_bounds = array<i64: 2, 16>, scalar_prefetch = 0 : i64, scratch_operands = 24 : i64, tpu.core_type = #tpu.core_type<sc_vector_subcore>, window_params = [{transform_indices = #map}, {transform_indices = #map}, {transform_indices = #map}, {transform_indices = #map}, {transform_indices = #map}, {transform_indices = #map}, {transform_indices = #map1}, {transform_indices = #map1}]} {
    %mul3A = arith.constant 2 : i32
    %mul3A_0 = arith.muli %arg1, %mul3A : i32
    %add3A = arith.addi %mul3A_0, %arg0 : i32
    %add3A_1 = arith.constant 0 : i32
    %add3A_2 = arith.addi %add3A, %add3A_1 : i32
    %dma_start3A = arith.constant 0 : i32
    %dma_start3A_3 = tpu.memref_slice %arg3[%add3A_2, %dma_start3A] : memref<2500x128xi32, #tpu.memory_space<hbm>> -> memref<1x128xi32, #tpu.memory_space<hbm>>
    %dma_start3A_4 = tpu.memref_squeeze %dma_start3A_3 : memref<1x128xi32, #tpu.memory_space<hbm>> -> memref<128xi32, #tpu.memory_space<hbm>>
    %dma_start3A_5 = arith.constant 0 : i32
    %dma_start3A_6 = tpu.memref_slice %arg3[%add3A_2, %dma_start3A_5] : memref<2500x128xi32, #tpu.memory_space<hbm>> -> memref<1x128xi32, #tpu.memory_space<hbm>>
    %dma_start3A_7 = tpu.memref_squeeze %dma_start3A_6 : memref<1x128xi32, #tpu.memory_space<hbm>> -> memref<128xi32, #tpu.memory_space<hbm>>
    tpu.enqueue_dma source(%dma_start3A_7 : memref<128xi32, #tpu.memory_space<hbm>>) target(%arg13 : memref<128xi32, #tpu.memory_space<vmem>>) target_semaphore(%arg23 : memref<!tpu.dma_semaphore, #tpu.memory_space<semaphore_mem>>)
    %add3A_8 = arith.constant 0 : i32
    %add3A_9 = arith.addi %add3A, %add3A_8 : i32
    %dma_start3A_10 = arith.constant 0 : i32
    %dma_start3A_11 = tpu.memref_slice %arg4[%add3A_9, %dma_start3A_10] : memref<2500x128xi32, #tpu.memory_space<hbm>> -> memref<1x128xi32, #tpu.memory_space<hbm>>
    %dma_start3A_12 = tpu.memref_squeeze %dma_start3A_11 : memref<1x128xi32, #tpu.memory_space<hbm>> -> memref<128xi32, #tpu.memory_space<hbm>>
    %dma_start3A_13 = arith.constant 0 : i32
    %dma_start3A_14 = tpu.memref_slice %arg4[%add3A_9, %dma_start3A_13] : memref<2500x128xi32, #tpu.memory_space<hbm>> -> memref<1x128xi32, #tpu.memory_space<hbm>>
    %dma_start3A_15 = tpu.memref_squeeze %dma_start3A_14 : memref<1x128xi32, #tpu.memory_space<hbm>> -> memref<128xi32, #tpu.memory_space<hbm>>
    tpu.enqueue_dma source(%dma_start3A_15 : memref<128xi32, #tpu.memory_space<hbm>>) target(%arg17 : memref<128xi32, #tpu.memory_space<vmem>>) target_semaphore(%arg27 : memref<!tpu.dma_semaphore, #tpu.memory_space<semaphore_mem>>)
    %add3A_16 = arith.constant 32 : i32
    %add3A_17 = arith.addi %add3A, %add3A_16 : i32
    %dma_start3A_18 = arith.constant 0 : i32
    %dma_start3A_19 = tpu.memref_slice %arg3[%add3A_17, %dma_start3A_18] : memref<2500x128xi32, #tpu.memory_space<hbm>> -> memref<1x128xi32, #tpu.memory_space<hbm>>
    %dma_start3A_20 = tpu.memref_squeeze %dma_start3A_19 : memref<1x128xi32, #tpu.memory_space<hbm>> -> memref<128xi32, #tpu.memory_space<hbm>>
    %dma_start3A_21 = arith.constant 0 : i32
    %dma_start3A_22 = tpu.memref_slice %arg3[%add3A_17, %dma_start3A_21] : memref<2500x128xi32, #tpu.memory_space<hbm>> -> memref<1x128xi32, #tpu.memory_space<hbm>>
    %dma_start3A_23 = tpu.memref_squeeze %dma_start3A_22 : memref<1x128xi32, #tpu.memory_space<hbm>> -> memref<128xi32, #tpu.memory_space<hbm>>
    tpu.enqueue_dma source(%dma_start3A_23 : memref<128xi32, #tpu.memory_space<hbm>>) target(%arg14 : memref<128xi32, #tpu.memory_space<vmem>>) target_semaphore(%arg24 : memref<!tpu.dma_semaphore, #tpu.memory_space<semaphore_mem>>)
    %add3A_24 = arith.constant 32 : i32
    %add3A_25 = arith.addi %add3A, %add3A_24 : i32
    %dma_start3A_26 = arith.constant 0 : i32
    %dma_start3A_27 = tpu.memref_slice %arg4[%add3A_25, %dma_start3A_26] : memref<2500x128xi32, #tpu.memory_space<hbm>> -> memref<1x128xi32, #tpu.memory_space<hbm>>
    %dma_start3A_28 = tpu.memref_squeeze %dma_start3A_27 : memref<1x128xi32, #tpu.memory_space<hbm>> -> memref<128xi32, #tpu.memory_space<hbm>>
    %dma_start3A_29 = arith.constant 0 : i32
    %dma_start3A_30 = tpu.memref_slice %arg4[%add3A_25, %dma_start3A_29] : memref<2500x128xi32, #tpu.memory_space<hbm>> -> memref<1x128xi32, #tpu.memory_space<hbm>>
    %dma_start3A_31 = tpu.memref_squeeze %dma_start3A_30 : memref<1x128xi32, #tpu.memory_space<hbm>> -> memref<128xi32, #tpu.memory_space<hbm>>
    tpu.enqueue_dma source(%dma_start3A_31 : memref<128xi32, #tpu.memory_space<hbm>>) target(%arg18 : memref<128xi32, #tpu.memory_space<vmem>>) target_semaphore(%arg28 : memref<!tpu.dma_semaphore, #tpu.memory_space<semaphore_mem>>)
    %add3A_32 = arith.constant 64 : i32
    %add3A_33 = arith.addi %add3A, %add3A_32 : i32
    %dma_start3A_34 = arith.constant 0 : i32
    %dma_start3A_35 = tpu.memref_slice %arg3[%add3A_33, %dma_start3A_34] : memref<2500x128xi32, #tpu.memory_space<hbm>> -> memref<1x128xi32, #tpu.memory_space<hbm>>
    %dma_start3A_36 = tpu.memref_squeeze %dma_start3A_35 : memref<1x128xi32, #tpu.memory_space<hbm>> -> memref<128xi32, #tpu.memory_space<hbm>>
    %dma_start3A_37 = arith.constant 0 : i32
    %dma_start3A_38 = tpu.memref_slice %arg3[%add3A_33, %dma_start3A_37] : memref<2500x128xi32, #tpu.memory_space<hbm>> -> memref<1x128xi32, #tpu.memory_space<hbm>>
    %dma_start3A_39 = tpu.memref_squeeze %dma_start3A_38 : memref<1x128xi32, #tpu.memory_space<hbm>> -> memref<128xi32, #tpu.memory_space<hbm>>
    tpu.enqueue_dma source(%dma_start3A_39 : memref<128xi32, #tpu.memory_space<hbm>>) target(%arg15 : memref<128xi32, #tpu.memory_space<vmem>>) target_semaphore(%arg25 : memref<!tpu.dma_semaphore, #tpu.memory_space<semaphore_mem>>)
    %add3A_40 = arith.constant 64 : i32
    %add3A_41 = arith.addi %add3A, %add3A_40 : i32
    %dma_start3A_42 = arith.constant 0 : i32
    %dma_start3A_43 = tpu.memref_slice %arg4[%add3A_41, %dma_start3A_42] : memref<2500x128xi32, #tpu.memory_space<hbm>> -> memref<1x128xi32, #tpu.memory_space<hbm>>
    %dma_start3A_44 = tpu.memref_squeeze %dma_start3A_43 : memref<1x128xi32, #tpu.memory_space<hbm>> -> memref<128xi32, #tpu.memory_space<hbm>>
    %dma_start3A_45 = arith.constant 0 : i32
    %dma_start3A_46 = tpu.memref_slice %arg4[%add3A_41, %dma_start3A_45] : memref<2500x128xi32, #tpu.memory_space<hbm>> -> memref<1x128xi32, #tpu.memory_space<hbm>>
    %dma_start3A_47 = tpu.memref_squeeze %dma_start3A_46 : memref<1x128xi32, #tpu.memory_space<hbm>> -> memref<128xi32, #tpu.memory_space<hbm>>
    tpu.enqueue_dma source(%dma_start3A_47 : memref<128xi32, #tpu.memory_space<hbm>>) target(%arg19 : memref<128xi32, #tpu.memory_space<vmem>>) target_semaphore(%arg29 : memref<!tpu.dma_semaphore, #tpu.memory_space<semaphore_mem>>)
    %add3A_48 = arith.constant 96 : i32
    %add3A_49 = arith.addi %add3A, %add3A_48 : i32
    %dma_start3A_50 = arith.constant 0 : i32
    %dma_start3A_51 = tpu.memref_slice %arg3[%add3A_49, %dma_start3A_50] : memref<2500x128xi32, #tpu.memory_space<hbm>> -> memref<1x128xi32, #tpu.memory_space<hbm>>
    %dma_start3A_52 = tpu.memref_squeeze %dma_start3A_51 : memref<1x128xi32, #tpu.memory_space<hbm>> -> memref<128xi32, #tpu.memory_space<hbm>>
    %dma_start3A_53 = arith.constant 0 : i32
    %dma_start3A_54 = tpu.memref_slice %arg3[%add3A_49, %dma_start3A_53] : memref<2500x128xi32, #tpu.memory_space<hbm>> -> memref<1x128xi32, #tpu.memory_space<hbm>>
    %dma_start3A_55 = tpu.memref_squeeze %dma_start3A_54 : memref<1x128xi32, #tpu.memory_space<hbm>> -> memref<128xi32, #tpu.memory_space<hbm>>
    tpu.enqueue_dma source(%dma_start3A_55 : memref<128xi32, #tpu.memory_space<hbm>>) target(%arg16 : memref<128xi32, #tpu.memory_space<vmem>>) target_semaphore(%arg26 : memref<!tpu.dma_semaphore, #tpu.memory_space<semaphore_mem>>)
    %add3A_56 = arith.constant 96 : i32
    %add3A_57 = arith.addi %add3A, %add3A_56 : i32
    %dma_start3A_58 = arith.constant 0 : i32
    %dma_start3A_59 = tpu.memref_slice %arg4[%add3A_57, %dma_start3A_58] : memref<2500x128xi32, #tpu.memory_space<hbm>> -> memref<1x128xi32, #tpu.memory_space<hbm>>
    %dma_start3A_60 = tpu.memref_squeeze %dma_start3A_59 : memref<1x128xi32, #tpu.memory_space<hbm>> -> memref<128xi32, #tpu.memory_space<hbm>>
    %dma_start3A_61 = arith.constant 0 : i32
    %dma_start3A_62 = tpu.memref_slice %arg4[%add3A_57, %dma_start3A_61] : memref<2500x128xi32, #tpu.memory_space<hbm>> -> memref<1x128xi32, #tpu.memory_space<hbm>>
    %dma_start3A_63 = tpu.memref_squeeze %dma_start3A_62 : memref<1x128xi32, #tpu.memory_space<hbm>> -> memref<128xi32, #tpu.memory_space<hbm>>
    tpu.enqueue_dma source(%dma_start3A_63 : memref<128xi32, #tpu.memory_space<hbm>>) target(%arg20 : memref<128xi32, #tpu.memory_space<vmem>>) target_semaphore(%arg30 : memref<!tpu.dma_semaphore, #tpu.memory_space<semaphore_mem>>)
    %mul3A_64 = arith.constant 640 : i32
    %mul3A_65 = arith.muli %arg1, %mul3A_64 : i32
    "tpu.region"() ({
      %run_scoped3A = tpu.sem_alloc : memref<!tpu.dma_semaphore, #tpu.memory_space<semaphore_mem>>
      %dma_start3A_310 = arith.constant 0 : i32
      %dma_start3A_311 = tpu.memref_slice %arg10[%mul3A_65, %dma_start3A_310] : memref<10240x128xf32, #tpu.memory_space<vmem_shared>> -> memref<640x128xf32, #tpu.memory_space<vmem_shared>>
      tpu.enqueue_dma source(%arg5 : memref<640x128xf32, #tpu.memory_space<hbm>>) target(%dma_start3A_311 : memref<640x128xf32, #tpu.memory_space<vmem_shared>>) target_semaphore(%run_scoped3A : memref<!tpu.dma_semaphore, #tpu.memory_space<semaphore_mem>>)
      %dma_wait3A_312 = arith.constant 0 : i32
      %dma_wait3A_313 = tpu.memref_slice %arg10[%mul3A_65, %dma_wait3A_312] : memref<10240x128xf32, #tpu.memory_space<vmem_shared>> -> memref<640x128xf32, #tpu.memory_space<vmem_shared>>
      tpu.wait_dma2 semaphore(%run_scoped3A : memref<!tpu.dma_semaphore, #tpu.memory_space<semaphore_mem>>) src(%arg5 : memref<640x128xf32, #tpu.memory_space<hbm>>) dst(%dma_wait3A_313 : memref<640x128xf32, #tpu.memory_space<vmem_shared>>)
      tpu.yield
    }) : () -> ()
    %mul3A_66 = arith.constant 640 : i32
    %mul3A_67 = arith.muli %arg1, %mul3A_66 : i32
    "tpu.region"() ({
      %run_scoped3A = tpu.sem_alloc : memref<!tpu.dma_semaphore, #tpu.memory_space<semaphore_mem>>
      %dma_start3A_310 = arith.constant 0 : i32
      %dma_start3A_311 = tpu.memref_slice %arg11[%mul3A_67, %dma_start3A_310] : memref<10240x16xi16, #tpu.memory_space<vmem_shared>> -> memref<640x16xi16, #tpu.memory_space<vmem_shared>>
      tpu.enqueue_dma source(%arg6 : memref<640x16xi16, #tpu.memory_space<hbm>>) target(%dma_start3A_311 : memref<640x16xi16, #tpu.memory_space<vmem_shared>>) target_semaphore(%run_scoped3A : memref<!tpu.dma_semaphore, #tpu.memory_space<semaphore_mem>>)
      %dma_wait3A_312 = arith.constant 0 : i32
      %dma_wait3A_313 = tpu.memref_slice %arg11[%mul3A_67, %dma_wait3A_312] : memref<10240x16xi16, #tpu.memory_space<vmem_shared>> -> memref<640x16xi16, #tpu.memory_space<vmem_shared>>
      tpu.wait_dma2 semaphore(%run_scoped3A : memref<!tpu.dma_semaphore, #tpu.memory_space<semaphore_mem>>) src(%arg6 : memref<640x16xi16, #tpu.memory_space<hbm>>) dst(%dma_wait3A_313 : memref<640x16xi16, #tpu.memory_space<vmem_shared>>)
      tpu.yield
    }) : () -> ()
    "tpu.region"() ({
      %run_scoped3A = tpu.sem_alloc : memref<!tpu.dma_semaphore, #tpu.memory_space<semaphore_mem>>
      tpu.enqueue_dma source(%arg7 : memref<128x16xi16, #tpu.memory_space<hbm>>) target(%arg12 : memref<128x16xi16, #tpu.memory_space<vmem>>) target_semaphore(%run_scoped3A : memref<!tpu.dma_semaphore, #tpu.memory_space<semaphore_mem>>)
      tpu.wait_dma2 semaphore(%run_scoped3A : memref<!tpu.dma_semaphore, #tpu.memory_space<semaphore_mem>>) src(%arg7 : memref<128x16xi16, #tpu.memory_space<hbm>>) dst(%arg12 : memref<128x16xi16, #tpu.memory_space<vmem>>)
      tpu.yield
    }) : () -> ()
    %add3A_68 = arith.constant 0 : i32
    %add3A_69 = arith.addi %add3A, %add3A_68 : i32
    %dma_wait3A = arith.constant 0 : i32
    %dma_wait3A_70 = tpu.memref_slice %arg3[%add3A_69, %dma_wait3A] : memref<2500x128xi32, #tpu.memory_space<hbm>> -> memref<1x128xi32, #tpu.memory_space<hbm>>
    %dma_wait3A_71 = tpu.memref_squeeze %dma_wait3A_70 : memref<1x128xi32, #tpu.memory_space<hbm>> -> memref<128xi32, #tpu.memory_space<hbm>>
    %dma_wait3A_72 = arith.constant 0 : i32
    %dma_wait3A_73 = tpu.memref_slice %arg3[%add3A_69, %dma_wait3A_72] : memref<2500x128xi32, #tpu.memory_space<hbm>> -> memref<1x128xi32, #tpu.memory_space<hbm>>
    %dma_wait3A_74 = tpu.memref_squeeze %dma_wait3A_73 : memref<1x128xi32, #tpu.memory_space<hbm>> -> memref<128xi32, #tpu.memory_space<hbm>>
    tpu.wait_dma2 semaphore(%arg23 : memref<!tpu.dma_semaphore, #tpu.memory_space<semaphore_mem>>) src(%dma_wait3A_74 : memref<128xi32, #tpu.memory_space<hbm>>) dst(%arg13 : memref<128xi32, #tpu.memory_space<vmem>>)
    %dma_start3A_75 = arith.constant 0 : i32
    %dma_start3A_76 = arith.constant 0 : i32
    %dma_start3A_77 = tpu.memref_slice %arg2[%dma_start3A_75, %dma_start3A_76] : memref<10000x128xf32, #tpu.memory_space<hbm>> -> memref<10000x128xf32, #tpu.memory_space<hbm>>
    tpu.enqueue_indirect_dma source(%dma_start3A_77 : memref<10000x128xf32, #tpu.memory_space<hbm>>) target(%arg21 : memref<128x128xf32, #tpu.memory_space<vmem>>) offsets(%arg13 : memref<128xi32, #tpu.memory_space<vmem>>) semaphore(%arg31 : memref<!tpu.dma_semaphore, #tpu.memory_space<semaphore_mem>>)
    %add3A_78 = arith.constant 32 : i32
    %add3A_79 = arith.addi %add3A, %add3A_78 : i32
    %dma_wait3A_80 = arith.constant 0 : i32
    %dma_wait3A_81 = tpu.memref_slice %arg3[%add3A_79, %dma_wait3A_80] : memref<2500x128xi32, #tpu.memory_space<hbm>> -> memref<1x128xi32, #tpu.memory_space<hbm>>
    %dma_wait3A_82 = tpu.memref_squeeze %dma_wait3A_81 : memref<1x128xi32, #tpu.memory_space<hbm>> -> memref<128xi32, #tpu.memory_space<hbm>>
    %dma_wait3A_83 = arith.constant 0 : i32
    %dma_wait3A_84 = tpu.memref_slice %arg3[%add3A_79, %dma_wait3A_83] : memref<2500x128xi32, #tpu.memory_space<hbm>> -> memref<1x128xi32, #tpu.memory_space<hbm>>
    %dma_wait3A_85 = tpu.memref_squeeze %dma_wait3A_84 : memref<1x128xi32, #tpu.memory_space<hbm>> -> memref<128xi32, #tpu.memory_space<hbm>>
    tpu.wait_dma2 semaphore(%arg24 : memref<!tpu.dma_semaphore, #tpu.memory_space<semaphore_mem>>) src(%dma_wait3A_85 : memref<128xi32, #tpu.memory_space<hbm>>) dst(%arg14 : memref<128xi32, #tpu.memory_space<vmem>>)
    %dma_start3A_86 = arith.constant 0 : i32
    %dma_start3A_87 = arith.constant 0 : i32
    %dma_start3A_88 = tpu.memref_slice %arg2[%dma_start3A_86, %dma_start3A_87] : memref<10000x128xf32, #tpu.memory_space<hbm>> -> memref<10000x128xf32, #tpu.memory_space<hbm>>
    tpu.enqueue_indirect_dma source(%dma_start3A_88 : memref<10000x128xf32, #tpu.memory_space<hbm>>) target(%arg22 : memref<128x128xf32, #tpu.memory_space<vmem>>) offsets(%arg14 : memref<128xi32, #tpu.memory_space<vmem>>) semaphore(%arg32 : memref<!tpu.dma_semaphore, #tpu.memory_space<semaphore_mem>>)
    %barrier3A = arith.constant 0 : index
    tpu.barrier barrier_id(%barrier3A)
    %scan3A = arith.constant 0 : i32
    %scan3A_89 = arith.constant 0 : i32
    %scan3A_90 = arith.constant 18 : i32
    %scan3A_91 = arith.addi %scan3A_89, %scan3A_90 : i32
    %scan3A_92 = arith.constant 1 : i32
    scf.for %scan3A_310 = %scan3A_89 to %scan3A_91 step %scan3A_92  : i32 {
      %mul3A_311 = arith.constant 4 : i32
      %mul3A_312 = arith.muli %scan3A_310, %mul3A_311 : i32
      %add3A_313 = arith.constant 0 : i32
      %add3A_314 = arith.addi %mul3A_312, %add3A_313 : i32
      %mul3A_315 = arith.constant 32 : i32
      %mul3A_316 = arith.muli %mul3A_315, %add3A_314 : i32
      %add3A_317 = arith.addi %add3A, %mul3A_316 : i32
      %dma_wait3A_318 = arith.constant 0 : i32
      %dma_wait3A_319 = tpu.memref_slice %arg4[%add3A_317, %dma_wait3A_318] : memref<2500x128xi32, #tpu.memory_space<hbm>> -> memref<1x128xi32, #tpu.memory_space<hbm>>
      %dma_wait3A_320 = tpu.memref_squeeze %dma_wait3A_319 : memref<1x128xi32, #tpu.memory_space<hbm>> -> memref<128xi32, #tpu.memory_space<hbm>>
      %dma_wait3A_321 = arith.constant 0 : i32
      %dma_wait3A_322 = tpu.memref_slice %arg4[%add3A_317, %dma_wait3A_321] : memref<2500x128xi32, #tpu.memory_space<hbm>> -> memref<1x128xi32, #tpu.memory_space<hbm>>
      %dma_wait3A_323 = tpu.memref_squeeze %dma_wait3A_322 : memref<1x128xi32, #tpu.memory_space<hbm>> -> memref<128xi32, #tpu.memory_space<hbm>>
      tpu.wait_dma2 semaphore(%arg27 : memref<!tpu.dma_semaphore, #tpu.memory_space<semaphore_mem>>) src(%dma_wait3A_323 : memref<128xi32, #tpu.memory_space<hbm>>) dst(%arg17 : memref<128xi32, #tpu.memory_space<vmem>>)
      %dma_wait3A_324 = arith.constant 0 : i32
      %dma_wait3A_325 = arith.constant 0 : i32
      %dma_wait3A_326 = tpu.memref_slice %arg2[%dma_wait3A_324, %dma_wait3A_325] : memref<10000x128xf32, #tpu.memory_space<hbm>> -> memref<10000x128xf32, #tpu.memory_space<hbm>>
      tpu.wait_indirect_dma semaphore(%arg31 : memref<!tpu.dma_semaphore, #tpu.memory_space<semaphore_mem>>) src(%dma_wait3A_326 : memref<10000x128xf32, #tpu.memory_space<hbm>>) dst(%arg21 : memref<128x128xf32, #tpu.memory_space<vmem>>)
      "tpu.region"() ({
        %run_scoped3A = tpu.sem_alloc : memref<!tpu.dma_semaphore, #tpu.memory_space<semaphore_mem>>
        %dma_start3A_499 = arith.constant 0 : i32
        %dma_start3A_500 = arith.constant 0 : i32
        %dma_start3A_501 = tpu.memref_slice %arg10[%dma_start3A_499, %dma_start3A_500] : memref<10240x128xf32, #tpu.memory_space<vmem_shared>> -> memref<10240x128xf32, #tpu.memory_space<vmem_shared>>
        tpu.enqueue_indirect_dma source(%arg21 : memref<128x128xf32, #tpu.memory_space<vmem>>) target(%dma_start3A_501 : memref<10240x128xf32, #tpu.memory_space<vmem_shared>>) offsets(%arg17 : memref<128xi32, #tpu.memory_space<vmem>>) semaphore(%run_scoped3A : memref<!tpu.dma_semaphore, #tpu.memory_space<semaphore_mem>>) {add = true}
        %dma_wait3A_502 = arith.constant 0 : i32
        %dma_wait3A_503 = arith.constant 0 : i32
        %dma_wait3A_504 = tpu.memref_slice %arg10[%dma_wait3A_502, %dma_wait3A_503] : memref<10240x128xf32, #tpu.memory_space<vmem_shared>> -> memref<10240x128xf32, #tpu.memory_space<vmem_shared>>
        tpu.wait_indirect_dma semaphore(%run_scoped3A : memref<!tpu.dma_semaphore, #tpu.memory_space<semaphore_mem>>) src(%arg21 : memref<128x128xf32, #tpu.memory_space<vmem>>) dst(%dma_wait3A_504 : memref<10240x128xf32, #tpu.memory_space<vmem_shared>>)
        tpu.yield
      }) : () -> ()
      "tpu.region"() ({
        %run_scoped3A = tpu.sem_alloc : memref<!tpu.dma_semaphore, #tpu.memory_space<semaphore_mem>>
        %dma_start3A_499 = arith.constant 0 : i32
        %dma_start3A_500 = arith.constant 0 : i32
        %dma_start3A_501 = tpu.memref_slice %arg11[%dma_start3A_499, %dma_start3A_500] : memref<10240x16xi16, #tpu.memory_space<vmem_shared>> -> memref<10240x16xi16, #tpu.memory_space<vmem_shared>>
        tpu.enqueue_indirect_dma source(%arg12 : memref<128x16xi16, #tpu.memory_space<vmem>>) target(%dma_start3A_501 : memref<10240x16xi16, #tpu.memory_space<vmem_shared>>) offsets(%arg17 : memref<128xi32, #tpu.memory_space<vmem>>) semaphore(%run_scoped3A : memref<!tpu.dma_semaphore, #tpu.memory_space<semaphore_mem>>) {add = true}
        %dma_wait3A_502 = arith.constant 0 : i32
        %dma_wait3A_503 = arith.constant 0 : i32
        %dma_wait3A_504 = tpu.memref_slice %arg11[%dma_wait3A_502, %dma_wait3A_503] : memref<10240x16xi16, #tpu.memory_space<vmem_shared>> -> memref<10240x16xi16, #tpu.memory_space<vmem_shared>>
        tpu.wait_indirect_dma semaphore(%run_scoped3A : memref<!tpu.dma_semaphore, #tpu.memory_space<semaphore_mem>>) src(%arg12 : memref<128x16xi16, #tpu.memory_space<vmem>>) dst(%dma_wait3A_504 : memref<10240x16xi16, #tpu.memory_space<vmem_shared>>)
        tpu.yield
      }) : () -> ()
      %add3A_327 = arith.constant 4 : i32
      %add3A_328 = arith.addi %add3A_314, %add3A_327 : i32
      %mul3A_329 = arith.constant 32 : i32
      %mul3A_330 = arith.muli %mul3A_329, %add3A_328 : i32
      %add3A_331 = arith.addi %add3A, %mul3A_330 : i32
      %dma_start3A_332 = arith.constant 0 : i32
      %dma_start3A_333 = tpu.memref_slice %arg3[%add3A_331, %dma_start3A_332] : memref<2500x128xi32, #tpu.memory_space<hbm>> -> memref<1x128xi32, #tpu.memory_space<hbm>>
      %dma_start3A_334 = tpu.memref_squeeze %dma_start3A_333 : memref<1x128xi32, #tpu.memory_space<hbm>> -> memref<128xi32, #tpu.memory_space<hbm>>
      %dma_start3A_335 = arith.constant 0 : i32
      %dma_start3A_336 = tpu.memref_slice %arg3[%add3A_331, %dma_start3A_335] : memref<2500x128xi32, #tpu.memory_space<hbm>> -> memref<1x128xi32, #tpu.memory_space<hbm>>
      %dma_start3A_337 = tpu.memref_squeeze %dma_start3A_336 : memref<1x128xi32, #tpu.memory_space<hbm>> -> memref<128xi32, #tpu.memory_space<hbm>>
      tpu.enqueue_dma source(%dma_start3A_337 : memref<128xi32, #tpu.memory_space<hbm>>) target(%arg13 : memref<128xi32, #tpu.memory_space<vmem>>) target_semaphore(%arg23 : memref<!tpu.dma_semaphore, #tpu.memory_space<semaphore_mem>>)
      %dma_start3A_338 = arith.constant 0 : i32
      %dma_start3A_339 = tpu.memref_slice %arg4[%add3A_331, %dma_start3A_338] : memref<2500x128xi32, #tpu.memory_space<hbm>> -> memref<1x128xi32, #tpu.memory_space<hbm>>
      %dma_start3A_340 = tpu.memref_squeeze %dma_start3A_339 : memref<1x128xi32, #tpu.memory_space<hbm>> -> memref<128xi32, #tpu.memory_space<hbm>>
      %dma_start3A_341 = arith.constant 0 : i32
      %dma_start3A_342 = tpu.memref_slice %arg4[%add3A_331, %dma_start3A_341] : memref<2500x128xi32, #tpu.memory_space<hbm>> -> memref<1x128xi32, #tpu.memory_space<hbm>>
      %dma_start3A_343 = tpu.memref_squeeze %dma_start3A_342 : memref<1x128xi32, #tpu.memory_space<hbm>> -> memref<128xi32, #tpu.memory_space<hbm>>
      tpu.enqueue_dma source(%dma_start3A_343 : memref<128xi32, #tpu.memory_space<hbm>>) target(%arg17 : memref<128xi32, #tpu.memory_space<vmem>>) target_semaphore(%arg27 : memref<!tpu.dma_semaphore, #tpu.memory_space<semaphore_mem>>)
      %add3A_344 = arith.constant 2 : i32
      %add3A_345 = arith.addi %add3A_314, %add3A_344 : i32
      %mul3A_346 = arith.constant 32 : i32
      %mul3A_347 = arith.muli %mul3A_346, %add3A_345 : i32
      %add3A_348 = arith.addi %add3A, %mul3A_347 : i32
      %dma_wait3A_349 = arith.constant 0 : i32
      %dma_wait3A_350 = tpu.memref_slice %arg3[%add3A_348, %dma_wait3A_349] : memref<2500x128xi32, #tpu.memory_space<hbm>> -> memref<1x128xi32, #tpu.memory_space<hbm>>
      %dma_wait3A_351 = tpu.memref_squeeze %dma_wait3A_350 : memref<1x128xi32, #tpu.memory_space<hbm>> -> memref<128xi32, #tpu.memory_space<hbm>>
      %dma_wait3A_352 = arith.constant 0 : i32
      %dma_wait3A_353 = tpu.memref_slice %arg3[%add3A_348, %dma_wait3A_352] : memref<2500x128xi32, #tpu.memory_space<hbm>> -> memref<1x128xi32, #tpu.memory_space<hbm>>
      %dma_wait3A_354 = tpu.memref_squeeze %dma_wait3A_353 : memref<1x128xi32, #tpu.memory_space<hbm>> -> memref<128xi32, #tpu.memory_space<hbm>>
      tpu.wait_dma2 semaphore(%arg25 : memref<!tpu.dma_semaphore, #tpu.memory_space<semaphore_mem>>) src(%dma_wait3A_354 : memref<128xi32, #tpu.memory_space<hbm>>) dst(%arg15 : memref<128xi32, #tpu.memory_space<vmem>>)
      %dma_start3A_355 = arith.constant 0 : i32
      %dma_start3A_356 = arith.constant 0 : i32
      %dma_start3A_357 = tpu.memref_slice %arg2[%dma_start3A_355, %dma_start3A_356] : memref<10000x128xf32, #tpu.memory_space<hbm>> -> memref<10000x128xf32, #tpu.memory_space<hbm>>
      tpu.enqueue_indirect_dma source(%dma_start3A_357 : memref<10000x128xf32, #tpu.memory_space<hbm>>) target(%arg21 : memref<128x128xf32, #tpu.memory_space<vmem>>) offsets(%arg15 : memref<128xi32, #tpu.memory_space<vmem>>) semaphore(%arg31 : memref<!tpu.dma_semaphore, #tpu.memory_space<semaphore_mem>>)
      %mul3A_358 = arith.constant 4 : i32
      %mul3A_359 = arith.muli %scan3A_310, %mul3A_358 : i32
      %add3A_360 = arith.constant 1 : i32
      %add3A_361 = arith.addi %mul3A_359, %add3A_360 : i32
      %mul3A_362 = arith.constant 32 : i32
      %mul3A_363 = arith.muli %mul3A_362, %add3A_361 : i32
      %add3A_364 = arith.addi %add3A, %mul3A_363 : i32
      %dma_wait3A_365 = arith.constant 0 : i32
      %dma_wait3A_366 = tpu.memref_slice %arg4[%add3A_364, %dma_wait3A_365] : memref<2500x128xi32, #tpu.memory_space<hbm>> -> memref<1x128xi32, #tpu.memory_space<hbm>>
      %dma_wait3A_367 = tpu.memref_squeeze %dma_wait3A_366 : memref<1x128xi32, #tpu.memory_space<hbm>> -> memref<128xi32, #tpu.memory_space<hbm>>
      %dma_wait3A_368 = arith.constant 0 : i32
      %dma_wait3A_369 = tpu.memref_slice %arg4[%add3A_364, %dma_wait3A_368] : memref<2500x128xi32, #tpu.memory_space<hbm>> -> memref<1x128xi32, #tpu.memory_space<hbm>>
      %dma_wait3A_370 = tpu.memref_squeeze %dma_wait3A_369 : memref<1x128xi32, #tpu.memory_space<hbm>> -> memref<128xi32, #tpu.memory_space<hbm>>
      tpu.wait_dma2 semaphore(%arg28 : memref<!tpu.dma_semaphore, #tpu.memory_space<semaphore_mem>>) src(%dma_wait3A_370 : memref<128xi32, #tpu.memory_space<hbm>>) dst(%arg18 : memref<128xi32, #tpu.memory_space<vmem>>)
      %dma_wait3A_371 = arith.constant 0 : i32
      %dma_wait3A_372 = arith.constant 0 : i32
      %dma_wait3A_373 = tpu.memref_slice %arg2[%dma_wait3A_371, %dma_wait3A_372] : memref<10000x128xf32, #tpu.memory_space<hbm>> -> memref<10000x128xf32, #tpu.memory_space<hbm>>
      tpu.wait_indirect_dma semaphore(%arg32 : memref<!tpu.dma_semaphore, #tpu.memory_space<semaphore_mem>>) src(%dma_wait3A_373 : memref<10000x128xf32, #tpu.memory_space<hbm>>) dst(%arg22 : memref<128x128xf32, #tpu.memory_space<vmem>>)
      "tpu.region"() ({
        %run_scoped3A = tpu.sem_alloc : memref<!tpu.dma_semaphore, #tpu.memory_space<semaphore_mem>>
        %dma_start3A_499 = arith.constant 0 : i32
        %dma_start3A_500 = arith.constant 0 : i32
        %dma_start3A_501 = tpu.memref_slice %arg10[%dma_start3A_499, %dma_start3A_500] : memref<10240x128xf32, #tpu.memory_space<vmem_shared>> -> memref<10240x128xf32, #tpu.memory_space<vmem_shared>>
        tpu.enqueue_indirect_dma source(%arg22 : memref<128x128xf32, #tpu.memory_space<vmem>>) target(%dma_start3A_501 : memref<10240x128xf32, #tpu.memory_space<vmem_shared>>) offsets(%arg18 : memref<128xi32, #tpu.memory_space<vmem>>) semaphore(%run_scoped3A : memref<!tpu.dma_semaphore, #tpu.memory_space<semaphore_mem>>) {add = true}
        %dma_wait3A_502 = arith.constant 0 : i32
        %dma_wait3A_503 = arith.constant 0 : i32
        %dma_wait3A_504 = tpu.memref_slice %arg10[%dma_wait3A_502, %dma_wait3A_503] : memref<10240x128xf32, #tpu.memory_space<vmem_shared>> -> memref<10240x128xf32, #tpu.memory_space<vmem_shared>>
        tpu.wait_indirect_dma semaphore(%run_scoped3A : memref<!tpu.dma_semaphore, #tpu.memory_space<semaphore_mem>>) src(%arg22 : memref<128x128xf32, #tpu.memory_space<vmem>>) dst(%dma_wait3A_504 : memref<10240x128xf32, #tpu.memory_space<vmem_shared>>)
        tpu.yield
      }) : () -> ()
      "tpu.region"() ({
        %run_scoped3A = tpu.sem_alloc : memref<!tpu.dma_semaphore, #tpu.memory_space<semaphore_mem>>
        %dma_start3A_499 = arith.constant 0 : i32
        %dma_start3A_500 = arith.constant 0 : i32
        %dma_start3A_501 = tpu.memref_slice %arg11[%dma_start3A_499, %dma_start3A_500] : memref<10240x16xi16, #tpu.memory_space<vmem_shared>> -> memref<10240x16xi16, #tpu.memory_space<vmem_shared>>
        tpu.enqueue_indirect_dma source(%arg12 : memref<128x16xi16, #tpu.memory_space<vmem>>) target(%dma_start3A_501 : memref<10240x16xi16, #tpu.memory_space<vmem_shared>>) offsets(%arg18 : memref<128xi32, #tpu.memory_space<vmem>>) semaphore(%run_scoped3A : memref<!tpu.dma_semaphore, #tpu.memory_space<semaphore_mem>>) {add = true}
        %dma_wait3A_502 = arith.constant 0 : i32
        %dma_wait3A_503 = arith.constant 0 : i32
        %dma_wait3A_504 = tpu.memref_slice %arg11[%dma_wait3A_502, %dma_wait3A_503] : memref<10240x16xi16, #tpu.memory_space<vmem_shared>> -> memref<10240x16xi16, #tpu.memory_space<vmem_shared>>
        tpu.wait_indirect_dma semaphore(%run_scoped3A : memref<!tpu.dma_semaphore, #tpu.memory_space<semaphore_mem>>) src(%arg12 : memref<128x16xi16, #tpu.memory_space<vmem>>) dst(%dma_wait3A_504 : memref<10240x16xi16, #tpu.memory_space<vmem_shared>>)
        tpu.yield
      }) : () -> ()
      %add3A_374 = arith.constant 4 : i32
      %add3A_375 = arith.addi %add3A_361, %add3A_374 : i32
      %mul3A_376 = arith.constant 32 : i32
      %mul3A_377 = arith.muli %mul3A_376, %add3A_375 : i32
      %add3A_378 = arith.addi %add3A, %mul3A_377 : i32
      %dma_start3A_379 = arith.constant 0 : i32
      %dma_start3A_380 = tpu.memref_slice %arg3[%add3A_378, %dma_start3A_379] : memref<2500x128xi32, #tpu.memory_space<hbm>> -> memref<1x128xi32, #tpu.memory_space<hbm>>
      %dma_start3A_381 = tpu.memref_squeeze %dma_start3A_380 : memref<1x128xi32, #tpu.memory_space<hbm>> -> memref<128xi32, #tpu.memory_space<hbm>>
      %dma_start3A_382 = arith.constant 0 : i32
      %dma_start3A_383 = tpu.memref_slice %arg3[%add3A_378, %dma_start3A_382] : memref<2500x128xi32, #tpu.memory_space<hbm>> -> memref<1x128xi32, #tpu.memory_space<hbm>>
      %dma_start3A_384 = tpu.memref_squeeze %dma_start3A_383 : memref<1x128xi32, #tpu.memory_space<hbm>> -> memref<128xi32, #tpu.memory_space<hbm>>
      tpu.enqueue_dma source(%dma_start3A_384 : memref<128xi32, #tpu.memory_space<hbm>>) target(%arg14 : memref<128xi32, #tpu.memory_space<vmem>>) target_semaphore(%arg24 : memref<!tpu.dma_semaphore, #tpu.memory_space<semaphore_mem>>)
      %dma_start3A_385 = arith.constant 0 : i32
      %dma_start3A_386 = tpu.memref_slice %arg4[%add3A_378, %dma_start3A_385] : memref<2500x128xi32, #tpu.memory_space<hbm>> -> memref<1x128xi32, #tpu.memory_space<hbm>>
      %dma_start3A_387 = tpu.memref_squeeze %dma_start3A_386 : memref<1x128xi32, #tpu.memory_space<hbm>> -> memref<128xi32, #tpu.memory_space<hbm>>
      %dma_start3A_388 = arith.constant 0 : i32
      %dma_start3A_389 = tpu.memref_slice %arg4[%add3A_378, %dma_start3A_388] : memref<2500x128xi32, #tpu.memory_space<hbm>> -> memref<1x128xi32, #tpu.memory_space<hbm>>
      %dma_start3A_390 = tpu.memref_squeeze %dma_start3A_389 : memref<1x128xi32, #tpu.memory_space<hbm>> -> memref<128xi32, #tpu.memory_space<hbm>>
      tpu.enqueue_dma source(%dma_start3A_390 : memref<128xi32, #tpu.memory_space<hbm>>) target(%arg18 : memref<128xi32, #tpu.memory_space<vmem>>) target_semaphore(%arg28 : memref<!tpu.dma_semaphore, #tpu.memory_space<semaphore_mem>>)
      %add3A_391 = arith.constant 2 : i32
      %add3A_392 = arith.addi %add3A_361, %add3A_391 : i32
      %mul3A_393 = arith.constant 32 : i32
      %mul3A_394 = arith.muli %mul3A_393, %add3A_392 : i32
      %add3A_395 = arith.addi %add3A, %mul3A_394 : i32
      %dma_wait3A_396 = arith.constant 0 : i32
      %dma_wait3A_397 = tpu.memref_slice %arg3[%add3A_395, %dma_wait3A_396] : memref<2500x128xi32, #tpu.memory_space<hbm>> -> memref<1x128xi32, #tpu.memory_space<hbm>>
      %dma_wait3A_398 = tpu.memref_squeeze %dma_wait3A_397 : memref<1x128xi32, #tpu.memory_space<hbm>> -> memref<128xi32, #tpu.memory_space<hbm>>
      %dma_wait3A_399 = arith.constant 0 : i32
      %dma_wait3A_400 = tpu.memref_slice %arg3[%add3A_395, %dma_wait3A_399] : memref<2500x128xi32, #tpu.memory_space<hbm>> -> memref<1x128xi32, #tpu.memory_space<hbm>>
      %dma_wait3A_401 = tpu.memref_squeeze %dma_wait3A_400 : memref<1x128xi32, #tpu.memory_space<hbm>> -> memref<128xi32, #tpu.memory_space<hbm>>
      tpu.wait_dma2 semaphore(%arg26 : memref<!tpu.dma_semaphore, #tpu.memory_space<semaphore_mem>>) src(%dma_wait3A_401 : memref<128xi32, #tpu.memory_space<hbm>>) dst(%arg16 : memref<128xi32, #tpu.memory_space<vmem>>)
      %dma_start3A_402 = arith.constant 0 : i32
      %dma_start3A_403 = arith.constant 0 : i32
      %dma_start3A_404 = tpu.memref_slice %arg2[%dma_start3A_402, %dma_start3A_403] : memref<10000x128xf32, #tpu.memory_space<hbm>> -> memref<10000x128xf32, #tpu.memory_space<hbm>>
      tpu.enqueue_indirect_dma source(%dma_start3A_404 : memref<10000x128xf32, #tpu.memory_space<hbm>>) target(%arg22 : memref<128x128xf32, #tpu.memory_space<vmem>>) offsets(%arg16 : memref<128xi32, #tpu.memory_space<vmem>>) semaphore(%arg32 : memref<!tpu.dma_semaphore, #tpu.memory_space<semaphore_mem>>)
      %mul3A_405 = arith.constant 4 : i32
      %mul3A_406 = arith.muli %scan3A_310, %mul3A_405 : i32
      %add3A_407 = arith.constant 2 : i32
      %add3A_408 = arith.addi %mul3A_406, %add3A_407 : i32
      %mul3A_409 = arith.constant 32 : i32
      %mul3A_410 = arith.muli %mul3A_409, %add3A_408 : i32
      %add3A_411 = arith.addi %add3A, %mul3A_410 : i32
      %dma_wait3A_412 = arith.constant 0 : i32
      %dma_wait3A_413 = tpu.memref_slice %arg4[%add3A_411, %dma_wait3A_412] : memref<2500x128xi32, #tpu.memory_space<hbm>> -> memref<1x128xi32, #tpu.memory_space<hbm>>
      %dma_wait3A_414 = tpu.memref_squeeze %dma_wait3A_413 : memref<1x128xi32, #tpu.memory_space<hbm>> -> memref<128xi32, #tpu.memory_space<hbm>>
      %dma_wait3A_415 = arith.constant 0 : i32
      %dma_wait3A_416 = tpu.memref_slice %arg4[%add3A_411, %dma_wait3A_415] : memref<2500x128xi32, #tpu.memory_space<hbm>> -> memref<1x128xi32, #tpu.memory_space<hbm>>
      %dma_wait3A_417 = tpu.memref_squeeze %dma_wait3A_416 : memref<1x128xi32, #tpu.memory_space<hbm>> -> memref<128xi32, #tpu.memory_space<hbm>>
      tpu.wait_dma2 semaphore(%arg29 : memref<!tpu.dma_semaphore, #tpu.memory_space<semaphore_mem>>) src(%dma_wait3A_417 : memref<128xi32, #tpu.memory_space<hbm>>) dst(%arg19 : memref<128xi32, #tpu.memory_space<vmem>>)
      %dma_wait3A_418 = arith.constant 0 : i32
      %dma_wait3A_419 = arith.constant 0 : i32
      %dma_wait3A_420 = tpu.memref_slice %arg2[%dma_wait3A_418, %dma_wait3A_419] : memref<10000x128xf32, #tpu.memory_space<hbm>> -> memref<10000x128xf32, #tpu.memory_space<hbm>>
      tpu.wait_indirect_dma semaphore(%arg31 : memref<!tpu.dma_semaphore, #tpu.memory_space<semaphore_mem>>) src(%dma_wait3A_420 : memref<10000x128xf32, #tpu.memory_space<hbm>>) dst(%arg21 : memref<128x128xf32, #tpu.memory_space<vmem>>)
      "tpu.region"() ({
        %run_scoped3A = tpu.sem_alloc : memref<!tpu.dma_semaphore, #tpu.memory_space<semaphore_mem>>
        %dma_start3A_499 = arith.constant 0 : i32
        %dma_start3A_500 = arith.constant 0 : i32
        %dma_start3A_501 = tpu.memref_slice %arg10[%dma_start3A_499, %dma_start3A_500] : memref<10240x128xf32, #tpu.memory_space<vmem_shared>> -> memref<10240x128xf32, #tpu.memory_space<vmem_shared>>
        tpu.enqueue_indirect_dma source(%arg21 : memref<128x128xf32, #tpu.memory_space<vmem>>) target(%dma_start3A_501 : memref<10240x128xf32, #tpu.memory_space<vmem_shared>>) offsets(%arg19 : memref<128xi32, #tpu.memory_space<vmem>>) semaphore(%run_scoped3A : memref<!tpu.dma_semaphore, #tpu.memory_space<semaphore_mem>>) {add = true}
        %dma_wait3A_502 = arith.constant 0 : i32
        %dma_wait3A_503 = arith.constant 0 : i32
        %dma_wait3A_504 = tpu.memref_slice %arg10[%dma_wait3A_502, %dma_wait3A_503] : memref<10240x128xf32, #tpu.memory_space<vmem_shared>> -> memref<10240x128xf32, #tpu.memory_space<vmem_shared>>
        tpu.wait_indirect_dma semaphore(%run_scoped3A : memref<!tpu.dma_semaphore, #tpu.memory_space<semaphore_mem>>) src(%arg21 : memref<128x128xf32, #tpu.memory_space<vmem>>) dst(%dma_wait3A_504 : memref<10240x128xf32, #tpu.memory_space<vmem_shared>>)
        tpu.yield
      }) : () -> ()
      "tpu.region"() ({
        %run_scoped3A = tpu.sem_alloc : memref<!tpu.dma_semaphore, #tpu.memory_space<semaphore_mem>>
        %dma_start3A_499 = arith.constant 0 : i32
        %dma_start3A_500 = arith.constant 0 : i32
        %dma_start3A_501 = tpu.memref_slice %arg11[%dma_start3A_499, %dma_start3A_500] : memref<10240x16xi16, #tpu.memory_space<vmem_shared>> -> memref<10240x16xi16, #tpu.memory_space<vmem_shared>>
        tpu.enqueue_indirect_dma source(%arg12 : memref<128x16xi16, #tpu.memory_space<vmem>>) target(%dma_start3A_501 : memref<10240x16xi16, #tpu.memory_space<vmem_shared>>) offsets(%arg19 : memref<128xi32, #tpu.memory_space<vmem>>) semaphore(%run_scoped3A : memref<!tpu.dma_semaphore, #tpu.memory_space<semaphore_mem>>) {add = true}
        %dma_wait3A_502 = arith.constant 0 : i32
        %dma_wait3A_503 = arith.constant 0 : i32
        %dma_wait3A_504 = tpu.memref_slice %arg11[%dma_wait3A_502, %dma_wait3A_503] : memref<10240x16xi16, #tpu.memory_space<vmem_shared>> -> memref<10240x16xi16, #tpu.memory_space<vmem_shared>>
        tpu.wait_indirect_dma semaphore(%run_scoped3A : memref<!tpu.dma_semaphore, #tpu.memory_space<semaphore_mem>>) src(%arg12 : memref<128x16xi16, #tpu.memory_space<vmem>>) dst(%dma_wait3A_504 : memref<10240x16xi16, #tpu.memory_space<vmem_shared>>)
        tpu.yield
      }) : () -> ()
      %add3A_421 = arith.constant 4 : i32
      %add3A_422 = arith.addi %add3A_408, %add3A_421 : i32
      %mul3A_423 = arith.constant 32 : i32
      %mul3A_424 = arith.muli %mul3A_423, %add3A_422 : i32
      %add3A_425 = arith.addi %add3A, %mul3A_424 : i32
      %dma_start3A_426 = arith.constant 0 : i32
      %dma_start3A_427 = tpu.memref_slice %arg3[%add3A_425, %dma_start3A_426] : memref<2500x128xi32, #tpu.memory_space<hbm>> -> memref<1x128xi32, #tpu.memory_space<hbm>>
      %dma_start3A_428 = tpu.memref_squeeze %dma_start3A_427 : memref<1x128xi32, #tpu.memory_space<hbm>> -> memref<128xi32, #tpu.memory_space<hbm>>
      %dma_start3A_429 = arith.constant 0 : i32
      %dma_start3A_430 = tpu.memref_slice %arg3[%add3A_425, %dma_start3A_429] : memref<2500x128xi32, #tpu.memory_space<hbm>> -> memref<1x128xi32, #tpu.memory_space<hbm>>
      %dma_start3A_431 = tpu.memref_squeeze %dma_start3A_430 : memref<1x128xi32, #tpu.memory_space<hbm>> -> memref<128xi32, #tpu.memory_space<hbm>>
      tpu.enqueue_dma source(%dma_start3A_431 : memref<128xi32, #tpu.memory_space<hbm>>) target(%arg15 : memref<128xi32, #tpu.memory_space<vmem>>) target_semaphore(%arg25 : memref<!tpu.dma_semaphore, #tpu.memory_space<semaphore_mem>>)
      %dma_start3A_432 = arith.constant 0 : i32
      %dma_start3A_433 = tpu.memref_slice %arg4[%add3A_425, %dma_start3A_432] : memref<2500x128xi32, #tpu.memory_space<hbm>> -> memref<1x128xi32, #tpu.memory_space<hbm>>
      %dma_start3A_434 = tpu.memref_squeeze %dma_start3A_433 : memref<1x128xi32, #tpu.memory_space<hbm>> -> memref<128xi32, #tpu.memory_space<hbm>>
      %dma_start3A_435 = arith.constant 0 : i32
      %dma_start3A_436 = tpu.memref_slice %arg4[%add3A_425, %dma_start3A_435] : memref<2500x128xi32, #tpu.memory_space<hbm>> -> memref<1x128xi32, #tpu.memory_space<hbm>>
      %dma_start3A_437 = tpu.memref_squeeze %dma_start3A_436 : memref<1x128xi32, #tpu.memory_space<hbm>> -> memref<128xi32, #tpu.memory_space<hbm>>
      tpu.enqueue_dma source(%dma_start3A_437 : memref<128xi32, #tpu.memory_space<hbm>>) target(%arg19 : memref<128xi32, #tpu.memory_space<vmem>>) target_semaphore(%arg29 : memref<!tpu.dma_semaphore, #tpu.memory_space<semaphore_mem>>)
      %add3A_438 = arith.constant 2 : i32
      %add3A_439 = arith.addi %add3A_408, %add3A_438 : i32
      %mul3A_440 = arith.constant 32 : i32
      %mul3A_441 = arith.muli %mul3A_440, %add3A_439 : i32
      %add3A_442 = arith.addi %add3A, %mul3A_441 : i32
      %dma_wait3A_443 = arith.constant 0 : i32
      %dma_wait3A_444 = tpu.memref_slice %arg3[%add3A_442, %dma_wait3A_443] : memref<2500x128xi32, #tpu.memory_space<hbm>> -> memref<1x128xi32, #tpu.memory_space<hbm>>
      %dma_wait3A_445 = tpu.memref_squeeze %dma_wait3A_444 : memref<1x128xi32, #tpu.memory_space<hbm>> -> memref<128xi32, #tpu.memory_space<hbm>>
      %dma_wait3A_446 = arith.constant 0 : i32
      %dma_wait3A_447 = tpu.memref_slice %arg3[%add3A_442, %dma_wait3A_446] : memref<2500x128xi32, #tpu.memory_space<hbm>> -> memref<1x128xi32, #tpu.memory_space<hbm>>
      %dma_wait3A_448 = tpu.memref_squeeze %dma_wait3A_447 : memref<1x128xi32, #tpu.memory_space<hbm>> -> memref<128xi32, #tpu.memory_space<hbm>>
      tpu.wait_dma2 semaphore(%arg23 : memref<!tpu.dma_semaphore, #tpu.memory_space<semaphore_mem>>) src(%dma_wait3A_448 : memref<128xi32, #tpu.memory_space<hbm>>) dst(%arg13 : memref<128xi32, #tpu.memory_space<vmem>>)
      %dma_start3A_449 = arith.constant 0 : i32
      %dma_start3A_450 = arith.constant 0 : i32
      %dma_start3A_451 = tpu.memref_slice %arg2[%dma_start3A_449, %dma_start3A_450] : memref<10000x128xf32, #tpu.memory_space<hbm>> -> memref<10000x128xf32, #tpu.memory_space<hbm>>
      tpu.enqueue_indirect_dma source(%dma_start3A_451 : memref<10000x128xf32, #tpu.memory_space<hbm>>) target(%arg21 : memref<128x128xf32, #tpu.memory_space<vmem>>) offsets(%arg13 : memref<128xi32, #tpu.memory_space<vmem>>) semaphore(%arg31 : memref<!tpu.dma_semaphore, #tpu.memory_space<semaphore_mem>>)
      %mul3A_452 = arith.constant 4 : i32
      %mul3A_453 = arith.muli %scan3A_310, %mul3A_452 : i32
      %add3A_454 = arith.constant 3 : i32
      %add3A_455 = arith.addi %mul3A_453, %add3A_454 : i32
      %mul3A_456 = arith.constant 32 : i32
      %mul3A_457 = arith.muli %mul3A_456, %add3A_455 : i32
      %add3A_458 = arith.addi %add3A, %mul3A_457 : i32
      %dma_wait3A_459 = arith.constant 0 : i32
      %dma_wait3A_460 = tpu.memref_slice %arg4[%add3A_458, %dma_wait3A_459] : memref<2500x128xi32, #tpu.memory_space<hbm>> -> memref<1x128xi32, #tpu.memory_space<hbm>>
      %dma_wait3A_461 = tpu.memref_squeeze %dma_wait3A_460 : memref<1x128xi32, #tpu.memory_space<hbm>> -> memref<128xi32, #tpu.memory_space<hbm>>
      %dma_wait3A_462 = arith.constant 0 : i32
      %dma_wait3A_463 = tpu.memref_slice %arg4[%add3A_458, %dma_wait3A_462] : memref<2500x128xi32, #tpu.memory_space<hbm>> -> memref<1x128xi32, #tpu.memory_space<hbm>>
      %dma_wait3A_464 = tpu.memref_squeeze %dma_wait3A_463 : memref<1x128xi32, #tpu.memory_space<hbm>> -> memref<128xi32, #tpu.memory_space<hbm>>
      tpu.wait_dma2 semaphore(%arg30 : memref<!tpu.dma_semaphore, #tpu.memory_space<semaphore_mem>>) src(%dma_wait3A_464 : memref<128xi32, #tpu.memory_space<hbm>>) dst(%arg20 : memref<128xi32, #tpu.memory_space<vmem>>)
      %dma_wait3A_465 = arith.constant 0 : i32
      %dma_wait3A_466 = arith.constant 0 : i32
      %dma_wait3A_467 = tpu.memref_slice %arg2[%dma_wait3A_465, %dma_wait3A_466] : memref<10000x128xf32, #tpu.memory_space<hbm>> -> memref<10000x128xf32, #tpu.memory_space<hbm>>
      tpu.wait_indirect_dma semaphore(%arg32 : memref<!tpu.dma_semaphore, #tpu.memory_space<semaphore_mem>>) src(%dma_wait3A_467 : memref<10000x128xf32, #tpu.memory_space<hbm>>) dst(%arg22 : memref<128x128xf32, #tpu.memory_space<vmem>>)
      "tpu.region"() ({
        %run_scoped3A = tpu.sem_alloc : memref<!tpu.dma_semaphore, #tpu.memory_space<semaphore_mem>>
        %dma_start3A_499 = arith.constant 0 : i32
        %dma_start3A_500 = arith.constant 0 : i32
        %dma_start3A_501 = tpu.memref_slice %arg10[%dma_start3A_499, %dma_start3A_500] : memref<10240x128xf32, #tpu.memory_space<vmem_shared>> -> memref<10240x128xf32, #tpu.memory_space<vmem_shared>>
        tpu.enqueue_indirect_dma source(%arg22 : memref<128x128xf32, #tpu.memory_space<vmem>>) target(%dma_start3A_501 : memref<10240x128xf32, #tpu.memory_space<vmem_shared>>) offsets(%arg20 : memref<128xi32, #tpu.memory_space<vmem>>) semaphore(%run_scoped3A : memref<!tpu.dma_semaphore, #tpu.memory_space<semaphore_mem>>) {add = true}
        %dma_wait3A_502 = arith.constant 0 : i32
        %dma_wait3A_503 = arith.constant 0 : i32
        %dma_wait3A_504 = tpu.memref_slice %arg10[%dma_wait3A_502, %dma_wait3A_503] : memref<10240x128xf32, #tpu.memory_space<vmem_shared>> -> memref<10240x128xf32, #tpu.memory_space<vmem_shared>>
        tpu.wait_indirect_dma semaphore(%run_scoped3A : memref<!tpu.dma_semaphore, #tpu.memory_space<semaphore_mem>>) src(%arg22 : memref<128x128xf32, #tpu.memory_space<vmem>>) dst(%dma_wait3A_504 : memref<10240x128xf32, #tpu.memory_space<vmem_shared>>)
        tpu.yield
      }) : () -> ()
      "tpu.region"() ({
        %run_scoped3A = tpu.sem_alloc : memref<!tpu.dma_semaphore, #tpu.memory_space<semaphore_mem>>
        %dma_start3A_499 = arith.constant 0 : i32
        %dma_start3A_500 = arith.constant 0 : i32
        %dma_start3A_501 = tpu.memref_slice %arg11[%dma_start3A_499, %dma_start3A_500] : memref<10240x16xi16, #tpu.memory_space<vmem_shared>> -> memref<10240x16xi16, #tpu.memory_space<vmem_shared>>
        tpu.enqueue_indirect_dma source(%arg12 : memref<128x16xi16, #tpu.memory_space<vmem>>) target(%dma_start3A_501 : memref<10240x16xi16, #tpu.memory_space<vmem_shared>>) offsets(%arg20 : memref<128xi32, #tpu.memory_space<vmem>>) semaphore(%run_scoped3A : memref<!tpu.dma_semaphore, #tpu.memory_space<semaphore_mem>>) {add = true}
        %dma_wait3A_502 = arith.constant 0 : i32
        %dma_wait3A_503 = arith.constant 0 : i32
        %dma_wait3A_504 = tpu.memref_slice %arg11[%dma_wait3A_502, %dma_wait3A_503] : memref<10240x16xi16, #tpu.memory_space<vmem_shared>> -> memref<10240x16xi16, #tpu.memory_space<vmem_shared>>
        tpu.wait_indirect_dma semaphore(%run_scoped3A : memref<!tpu.dma_semaphore, #tpu.memory_space<semaphore_mem>>) src(%arg12 : memref<128x16xi16, #tpu.memory_space<vmem>>) dst(%dma_wait3A_504 : memref<10240x16xi16, #tpu.memory_space<vmem_shared>>)
        tpu.yield
      }) : () -> ()
      %add3A_468 = arith.constant 4 : i32
      %add3A_469 = arith.addi %add3A_455, %add3A_468 : i32
      %mul3A_470 = arith.constant 32 : i32
      %mul3A_471 = arith.muli %mul3A_470, %add3A_469 : i32
      %add3A_472 = arith.addi %add3A, %mul3A_471 : i32
      %dma_start3A_473 = arith.constant 0 : i32
      %dma_start3A_474 = tpu.memref_slice %arg3[%add3A_472, %dma_start3A_473] : memref<2500x128xi32, #tpu.memory_space<hbm>> -> memref<1x128xi32, #tpu.memory_space<hbm>>
      %dma_start3A_475 = tpu.memref_squeeze %dma_start3A_474 : memref<1x128xi32, #tpu.memory_space<hbm>> -> memref<128xi32, #tpu.memory_space<hbm>>
      %dma_start3A_476 = arith.constant 0 : i32
      %dma_start3A_477 = tpu.memref_slice %arg3[%add3A_472, %dma_start3A_476] : memref<2500x128xi32, #tpu.memory_space<hbm>> -> memref<1x128xi32, #tpu.memory_space<hbm>>
      %dma_start3A_478 = tpu.memref_squeeze %dma_start3A_477 : memref<1x128xi32, #tpu.memory_space<hbm>> -> memref<128xi32, #tpu.memory_space<hbm>>
      tpu.enqueue_dma source(%dma_start3A_478 : memref<128xi32, #tpu.memory_space<hbm>>) target(%arg16 : memref<128xi32, #tpu.memory_space<vmem>>) target_semaphore(%arg26 : memref<!tpu.dma_semaphore, #tpu.memory_space<semaphore_mem>>)
      %dma_start3A_479 = arith.constant 0 : i32
      %dma_start3A_480 = tpu.memref_slice %arg4[%add3A_472, %dma_start3A_479] : memref<2500x128xi32, #tpu.memory_space<hbm>> -> memref<1x128xi32, #tpu.memory_space<hbm>>
      %dma_start3A_481 = tpu.memref_squeeze %dma_start3A_480 : memref<1x128xi32, #tpu.memory_space<hbm>> -> memref<128xi32, #tpu.memory_space<hbm>>
      %dma_start3A_482 = arith.constant 0 : i32
      %dma_start3A_483 = tpu.memref_slice %arg4[%add3A_472, %dma_start3A_482] : memref<2500x128xi32, #tpu.memory_space<hbm>> -> memref<1x128xi32, #tpu.memory_space<hbm>>
      %dma_start3A_484 = tpu.memref_squeeze %dma_start3A_483 : memref<1x128xi32, #tpu.memory_space<hbm>> -> memref<128xi32, #tpu.memory_space<hbm>>
      tpu.enqueue_dma source(%dma_start3A_484 : memref<128xi32, #tpu.memory_space<hbm>>) target(%arg20 : memref<128xi32, #tpu.memory_space<vmem>>) target_semaphore(%arg30 : memref<!tpu.dma_semaphore, #tpu.memory_space<semaphore_mem>>)
      %add3A_485 = arith.constant 2 : i32
      %add3A_486 = arith.addi %add3A_455, %add3A_485 : i32
      %mul3A_487 = arith.constant 32 : i32
      %mul3A_488 = arith.muli %mul3A_487, %add3A_486 : i32
      %add3A_489 = arith.addi %add3A, %mul3A_488 : i32
      %dma_wait3A_490 = arith.constant 0 : i32
      %dma_wait3A_491 = tpu.memref_slice %arg3[%add3A_489, %dma_wait3A_490] : memref<2500x128xi32, #tpu.memory_space<hbm>> -> memref<1x128xi32, #tpu.memory_space<hbm>>
      %dma_wait3A_492 = tpu.memref_squeeze %dma_wait3A_491 : memref<1x128xi32, #tpu.memory_space<hbm>> -> memref<128xi32, #tpu.memory_space<hbm>>
      %dma_wait3A_493 = arith.constant 0 : i32
      %dma_wait3A_494 = tpu.memref_slice %arg3[%add3A_489, %dma_wait3A_493] : memref<2500x128xi32, #tpu.memory_space<hbm>> -> memref<1x128xi32, #tpu.memory_space<hbm>>
      %dma_wait3A_495 = tpu.memref_squeeze %dma_wait3A_494 : memref<1x128xi32, #tpu.memory_space<hbm>> -> memref<128xi32, #tpu.memory_space<hbm>>
      tpu.wait_dma2 semaphore(%arg24 : memref<!tpu.dma_semaphore, #tpu.memory_space<semaphore_mem>>) src(%dma_wait3A_495 : memref<128xi32, #tpu.memory_space<hbm>>) dst(%arg14 : memref<128xi32, #tpu.memory_space<vmem>>)
      %dma_start3A_496 = arith.constant 0 : i32
      %dma_start3A_497 = arith.constant 0 : i32
      %dma_start3A_498 = tpu.memref_slice %arg2[%dma_start3A_496, %dma_start3A_497] : memref<10000x128xf32, #tpu.memory_space<hbm>> -> memref<10000x128xf32, #tpu.memory_space<hbm>>
      tpu.enqueue_indirect_dma source(%dma_start3A_498 : memref<10000x128xf32, #tpu.memory_space<hbm>>) target(%arg22 : memref<128x128xf32, #tpu.memory_space<vmem>>) offsets(%arg14 : memref<128xi32, #tpu.memory_space<vmem>>) semaphore(%arg32 : memref<!tpu.dma_semaphore, #tpu.memory_space<semaphore_mem>>)
    }
    %scan3A_93 = arith.constant 18 : i32
    %add3A_94 = arith.constant 2304 : i32
    %add3A_95 = arith.addi %add3A, %add3A_94 : i32
    %dma_wait3A_96 = arith.constant 0 : i32
    %dma_wait3A_97 = tpu.memref_slice %arg4[%add3A_95, %dma_wait3A_96] : memref<2500x128xi32, #tpu.memory_space<hbm>> -> memref<1x128xi32, #tpu.memory_space<hbm>>
    %dma_wait3A_98 = tpu.memref_squeeze %dma_wait3A_97 : memref<1x128xi32, #tpu.memory_space<hbm>> -> memref<128xi32, #tpu.memory_space<hbm>>
    %dma_wait3A_99 = arith.constant 0 : i32
    %dma_wait3A_100 = tpu.memref_slice %arg4[%add3A_95, %dma_wait3A_99] : memref<2500x128xi32, #tpu.memory_space<hbm>> -> memref<1x128xi32, #tpu.memory_space<hbm>>
    %dma_wait3A_101 = tpu.memref_squeeze %dma_wait3A_100 : memref<1x128xi32, #tpu.memory_space<hbm>> -> memref<128xi32, #tpu.memory_space<hbm>>
    tpu.wait_dma2 semaphore(%arg27 : memref<!tpu.dma_semaphore, #tpu.memory_space<semaphore_mem>>) src(%dma_wait3A_101 : memref<128xi32, #tpu.memory_space<hbm>>) dst(%arg17 : memref<128xi32, #tpu.memory_space<vmem>>)
    %dma_wait3A_102 = arith.constant 0 : i32
    %dma_wait3A_103 = arith.constant 0 : i32
    %dma_wait3A_104 = tpu.memref_slice %arg2[%dma_wait3A_102, %dma_wait3A_103] : memref<10000x128xf32, #tpu.memory_space<hbm>> -> memref<10000x128xf32, #tpu.memory_space<hbm>>
    tpu.wait_indirect_dma semaphore(%arg31 : memref<!tpu.dma_semaphore, #tpu.memory_space<semaphore_mem>>) src(%dma_wait3A_104 : memref<10000x128xf32, #tpu.memory_space<hbm>>) dst(%arg21 : memref<128x128xf32, #tpu.memory_space<vmem>>)
    "tpu.region"() ({
      %run_scoped3A = tpu.sem_alloc : memref<!tpu.dma_semaphore, #tpu.memory_space<semaphore_mem>>
      %dma_start3A_310 = arith.constant 0 : i32
      %dma_start3A_311 = arith.constant 0 : i32
      %dma_start3A_312 = tpu.memref_slice %arg10[%dma_start3A_310, %dma_start3A_311] : memref<10240x128xf32, #tpu.memory_space<vmem_shared>> -> memref<10240x128xf32, #tpu.memory_space<vmem_shared>>
      tpu.enqueue_indirect_dma source(%arg21 : memref<128x128xf32, #tpu.memory_space<vmem>>) target(%dma_start3A_312 : memref<10240x128xf32, #tpu.memory_space<vmem_shared>>) offsets(%arg17 : memref<128xi32, #tpu.memory_space<vmem>>) semaphore(%run_scoped3A : memref<!tpu.dma_semaphore, #tpu.memory_space<semaphore_mem>>) {add = true}
      %dma_wait3A_313 = arith.constant 0 : i32
      %dma_wait3A_314 = arith.constant 0 : i32
      %dma_wait3A_315 = tpu.memref_slice %arg10[%dma_wait3A_313, %dma_wait3A_314] : memref<10240x128xf32, #tpu.memory_space<vmem_shared>> -> memref<10240x128xf32, #tpu.memory_space<vmem_shared>>
      tpu.wait_indirect_dma semaphore(%run_scoped3A : memref<!tpu.dma_semaphore, #tpu.memory_space<semaphore_mem>>) src(%arg21 : memref<128x128xf32, #tpu.memory_space<vmem>>) dst(%dma_wait3A_315 : memref<10240x128xf32, #tpu.memory_space<vmem_shared>>)
      tpu.yield
    }) : () -> ()
    "tpu.region"() ({
      %run_scoped3A = tpu.sem_alloc : memref<!tpu.dma_semaphore, #tpu.memory_space<semaphore_mem>>
      %dma_start3A_310 = arith.constant 0 : i32
      %dma_start3A_311 = arith.constant 0 : i32
      %dma_start3A_312 = tpu.memref_slice %arg11[%dma_start3A_310, %dma_start3A_311] : memref<10240x16xi16, #tpu.memory_space<vmem_shared>> -> memref<10240x16xi16, #tpu.memory_space<vmem_shared>>
      tpu.enqueue_indirect_dma source(%arg12 : memref<128x16xi16, #tpu.memory_space<vmem>>) target(%dma_start3A_312 : memref<10240x16xi16, #tpu.memory_space<vmem_shared>>) offsets(%arg17 : memref<128xi32, #tpu.memory_space<vmem>>) semaphore(%run_scoped3A : memref<!tpu.dma_semaphore, #tpu.memory_space<semaphore_mem>>) {add = true}
      %dma_wait3A_313 = arith.constant 0 : i32
      %dma_wait3A_314 = arith.constant 0 : i32
      %dma_wait3A_315 = tpu.memref_slice %arg11[%dma_wait3A_313, %dma_wait3A_314] : memref<10240x16xi16, #tpu.memory_space<vmem_shared>> -> memref<10240x16xi16, #tpu.memory_space<vmem_shared>>
      tpu.wait_indirect_dma semaphore(%run_scoped3A : memref<!tpu.dma_semaphore, #tpu.memory_space<semaphore_mem>>) src(%arg12 : memref<128x16xi16, #tpu.memory_space<vmem>>) dst(%dma_wait3A_315 : memref<10240x16xi16, #tpu.memory_space<vmem_shared>>)
      tpu.yield
    }) : () -> ()
    %add3A_105 = arith.constant 2432 : i32
    %add3A_106 = arith.addi %add3A, %add3A_105 : i32
    %min3A = arith.constant 2499 : i32
    %min3A_107 = arith.minsi %add3A_106, %min3A : i32
    %dma_start3A_108 = arith.constant 0 : i32
    %dma_start3A_109 = tpu.memref_slice %arg3[%min3A_107, %dma_start3A_108] : memref<2500x128xi32, #tpu.memory_space<hbm>> -> memref<1x128xi32, #tpu.memory_space<hbm>>
    %dma_start3A_110 = tpu.memref_squeeze %dma_start3A_109 : memref<1x128xi32, #tpu.memory_space<hbm>> -> memref<128xi32, #tpu.memory_space<hbm>>
    %dma_start3A_111 = arith.constant 0 : i32
    %dma_start3A_112 = tpu.memref_slice %arg3[%min3A_107, %dma_start3A_111] : memref<2500x128xi32, #tpu.memory_space<hbm>> -> memref<1x128xi32, #tpu.memory_space<hbm>>
    %dma_start3A_113 = tpu.memref_squeeze %dma_start3A_112 : memref<1x128xi32, #tpu.memory_space<hbm>> -> memref<128xi32, #tpu.memory_space<hbm>>
    tpu.enqueue_dma source(%dma_start3A_113 : memref<128xi32, #tpu.memory_space<hbm>>) target(%arg13 : memref<128xi32, #tpu.memory_space<vmem>>) target_semaphore(%arg23 : memref<!tpu.dma_semaphore, #tpu.memory_space<semaphore_mem>>)
    %dma_start3A_114 = arith.constant 0 : i32
    %dma_start3A_115 = tpu.memref_slice %arg4[%min3A_107, %dma_start3A_114] : memref<2500x128xi32, #tpu.memory_space<hbm>> -> memref<1x128xi32, #tpu.memory_space<hbm>>
    %dma_start3A_116 = tpu.memref_squeeze %dma_start3A_115 : memref<1x128xi32, #tpu.memory_space<hbm>> -> memref<128xi32, #tpu.memory_space<hbm>>
    %dma_start3A_117 = arith.constant 0 : i32
    %dma_start3A_118 = tpu.memref_slice %arg4[%min3A_107, %dma_start3A_117] : memref<2500x128xi32, #tpu.memory_space<hbm>> -> memref<1x128xi32, #tpu.memory_space<hbm>>
    %dma_start3A_119 = tpu.memref_squeeze %dma_start3A_118 : memref<1x128xi32, #tpu.memory_space<hbm>> -> memref<128xi32, #tpu.memory_space<hbm>>
    tpu.enqueue_dma source(%dma_start3A_119 : memref<128xi32, #tpu.memory_space<hbm>>) target(%arg17 : memref<128xi32, #tpu.memory_space<vmem>>) target_semaphore(%arg27 : memref<!tpu.dma_semaphore, #tpu.memory_space<semaphore_mem>>)
    %add3A_120 = arith.constant 2368 : i32
    %add3A_121 = arith.addi %add3A, %add3A_120 : i32
    %min3A_122 = arith.constant 2499 : i32
    %min3A_123 = arith.minsi %add3A_121, %min3A_122 : i32
    %dma_wait3A_124 = arith.constant 0 : i32
    %dma_wait3A_125 = tpu.memref_slice %arg3[%min3A_123, %dma_wait3A_124] : memref<2500x128xi32, #tpu.memory_space<hbm>> -> memref<1x128xi32, #tpu.memory_space<hbm>>
    %dma_wait3A_126 = tpu.memref_squeeze %dma_wait3A_125 : memref<1x128xi32, #tpu.memory_space<hbm>> -> memref<128xi32, #tpu.memory_space<hbm>>
    %dma_wait3A_127 = arith.constant 0 : i32
    %dma_wait3A_128 = tpu.memref_slice %arg3[%min3A_123, %dma_wait3A_127] : memref<2500x128xi32, #tpu.memory_space<hbm>> -> memref<1x128xi32, #tpu.memory_space<hbm>>
    %dma_wait3A_129 = tpu.memref_squeeze %dma_wait3A_128 : memref<1x128xi32, #tpu.memory_space<hbm>> -> memref<128xi32, #tpu.memory_space<hbm>>
    tpu.wait_dma2 semaphore(%arg25 : memref<!tpu.dma_semaphore, #tpu.memory_space<semaphore_mem>>) src(%dma_wait3A_129 : memref<128xi32, #tpu.memory_space<hbm>>) dst(%arg15 : memref<128xi32, #tpu.memory_space<vmem>>)
    %dma_start3A_130 = arith.constant 0 : i32
    %dma_start3A_131 = arith.constant 0 : i32
    %dma_start3A_132 = tpu.memref_slice %arg2[%dma_start3A_130, %dma_start3A_131] : memref<10000x128xf32, #tpu.memory_space<hbm>> -> memref<10000x128xf32, #tpu.memory_space<hbm>>
    tpu.enqueue_indirect_dma source(%dma_start3A_132 : memref<10000x128xf32, #tpu.memory_space<hbm>>) target(%arg21 : memref<128x128xf32, #tpu.memory_space<vmem>>) offsets(%arg15 : memref<128xi32, #tpu.memory_space<vmem>>) semaphore(%arg31 : memref<!tpu.dma_semaphore, #tpu.memory_space<semaphore_mem>>)
    %add3A_133 = arith.constant 2336 : i32
    %add3A_134 = arith.addi %add3A, %add3A_133 : i32
    %dma_wait3A_135 = arith.constant 0 : i32
    %dma_wait3A_136 = tpu.memref_slice %arg4[%add3A_134, %dma_wait3A_135] : memref<2500x128xi32, #tpu.memory_space<hbm>> -> memref<1x128xi32, #tpu.memory_space<hbm>>
    %dma_wait3A_137 = tpu.memref_squeeze %dma_wait3A_136 : memref<1x128xi32, #tpu.memory_space<hbm>> -> memref<128xi32, #tpu.memory_space<hbm>>
    %dma_wait3A_138 = arith.constant 0 : i32
    %dma_wait3A_139 = tpu.memref_slice %arg4[%add3A_134, %dma_wait3A_138] : memref<2500x128xi32, #tpu.memory_space<hbm>> -> memref<1x128xi32, #tpu.memory_space<hbm>>
    %dma_wait3A_140 = tpu.memref_squeeze %dma_wait3A_139 : memref<1x128xi32, #tpu.memory_space<hbm>> -> memref<128xi32, #tpu.memory_space<hbm>>
    tpu.wait_dma2 semaphore(%arg28 : memref<!tpu.dma_semaphore, #tpu.memory_space<semaphore_mem>>) src(%dma_wait3A_140 : memref<128xi32, #tpu.memory_space<hbm>>) dst(%arg18 : memref<128xi32, #tpu.memory_space<vmem>>)
    %dma_wait3A_141 = arith.constant 0 : i32
    %dma_wait3A_142 = arith.constant 0 : i32
    %dma_wait3A_143 = tpu.memref_slice %arg2[%dma_wait3A_141, %dma_wait3A_142] : memref<10000x128xf32, #tpu.memory_space<hbm>> -> memref<10000x128xf32, #tpu.memory_space<hbm>>
    tpu.wait_indirect_dma semaphore(%arg32 : memref<!tpu.dma_semaphore, #tpu.memory_space<semaphore_mem>>) src(%dma_wait3A_143 : memref<10000x128xf32, #tpu.memory_space<hbm>>) dst(%arg22 : memref<128x128xf32, #tpu.memory_space<vmem>>)
    "tpu.region"() ({
      %run_scoped3A = tpu.sem_alloc : memref<!tpu.dma_semaphore, #tpu.memory_space<semaphore_mem>>
      %dma_start3A_310 = arith.constant 0 : i32
      %dma_start3A_311 = arith.constant 0 : i32
      %dma_start3A_312 = tpu.memref_slice %arg10[%dma_start3A_310, %dma_start3A_311] : memref<10240x128xf32, #tpu.memory_space<vmem_shared>> -> memref<10240x128xf32, #tpu.memory_space<vmem_shared>>
      tpu.enqueue_indirect_dma source(%arg22 : memref<128x128xf32, #tpu.memory_space<vmem>>) target(%dma_start3A_312 : memref<10240x128xf32, #tpu.memory_space<vmem_shared>>) offsets(%arg18 : memref<128xi32, #tpu.memory_space<vmem>>) semaphore(%run_scoped3A : memref<!tpu.dma_semaphore, #tpu.memory_space<semaphore_mem>>) {add = true}
      %dma_wait3A_313 = arith.constant 0 : i32
      %dma_wait3A_314 = arith.constant 0 : i32
      %dma_wait3A_315 = tpu.memref_slice %arg10[%dma_wait3A_313, %dma_wait3A_314] : memref<10240x128xf32, #tpu.memory_space<vmem_shared>> -> memref<10240x128xf32, #tpu.memory_space<vmem_shared>>
      tpu.wait_indirect_dma semaphore(%run_scoped3A : memref<!tpu.dma_semaphore, #tpu.memory_space<semaphore_mem>>) src(%arg22 : memref<128x128xf32, #tpu.memory_space<vmem>>) dst(%dma_wait3A_315 : memref<10240x128xf32, #tpu.memory_space<vmem_shared>>)
      tpu.yield
    }) : () -> ()
    "tpu.region"() ({
      %run_scoped3A = tpu.sem_alloc : memref<!tpu.dma_semaphore, #tpu.memory_space<semaphore_mem>>
      %dma_start3A_310 = arith.constant 0 : i32
      %dma_start3A_311 = arith.constant 0 : i32
      %dma_start3A_312 = tpu.memref_slice %arg11[%dma_start3A_310, %dma_start3A_311] : memref<10240x16xi16, #tpu.memory_space<vmem_shared>> -> memref<10240x16xi16, #tpu.memory_space<vmem_shared>>
      tpu.enqueue_indirect_dma source(%arg12 : memref<128x16xi16, #tpu.memory_space<vmem>>) target(%dma_start3A_312 : memref<10240x16xi16, #tpu.memory_space<vmem_shared>>) offsets(%arg18 : memref<128xi32, #tpu.memory_space<vmem>>) semaphore(%run_scoped3A : memref<!tpu.dma_semaphore, #tpu.memory_space<semaphore_mem>>) {add = true}
      %dma_wait3A_313 = arith.constant 0 : i32
      %dma_wait3A_314 = arith.constant 0 : i32
      %dma_wait3A_315 = tpu.memref_slice %arg11[%dma_wait3A_313, %dma_wait3A_314] : memref<10240x16xi16, #tpu.memory_space<vmem_shared>> -> memref<10240x16xi16, #tpu.memory_space<vmem_shared>>
      tpu.wait_indirect_dma semaphore(%run_scoped3A : memref<!tpu.dma_semaphore, #tpu.memory_space<semaphore_mem>>) src(%arg12 : memref<128x16xi16, #tpu.memory_space<vmem>>) dst(%dma_wait3A_315 : memref<10240x16xi16, #tpu.memory_space<vmem_shared>>)
      tpu.yield
    }) : () -> ()
    %add3A_144 = arith.constant 2464 : i32
    %add3A_145 = arith.addi %add3A, %add3A_144 : i32
    %min3A_146 = arith.constant 2499 : i32
    %min3A_147 = arith.minsi %add3A_145, %min3A_146 : i32
    %dma_start3A_148 = arith.constant 0 : i32
    %dma_start3A_149 = tpu.memref_slice %arg3[%min3A_147, %dma_start3A_148] : memref<2500x128xi32, #tpu.memory_space<hbm>> -> memref<1x128xi32, #tpu.memory_space<hbm>>
    %dma_start3A_150 = tpu.memref_squeeze %dma_start3A_149 : memref<1x128xi32, #tpu.memory_space<hbm>> -> memref<128xi32, #tpu.memory_space<hbm>>
    %dma_start3A_151 = arith.constant 0 : i32
    %dma_start3A_152 = tpu.memref_slice %arg3[%min3A_147, %dma_start3A_151] : memref<2500x128xi32, #tpu.memory_space<hbm>> -> memref<1x128xi32, #tpu.memory_space<hbm>>
    %dma_start3A_153 = tpu.memref_squeeze %dma_start3A_152 : memref<1x128xi32, #tpu.memory_space<hbm>> -> memref<128xi32, #tpu.memory_space<hbm>>
    tpu.enqueue_dma source(%dma_start3A_153 : memref<128xi32, #tpu.memory_space<hbm>>) target(%arg14 : memref<128xi32, #tpu.memory_space<vmem>>) target_semaphore(%arg24 : memref<!tpu.dma_semaphore, #tpu.memory_space<semaphore_mem>>)
    %dma_start3A_154 = arith.constant 0 : i32
    %dma_start3A_155 = tpu.memref_slice %arg4[%min3A_147, %dma_start3A_154] : memref<2500x128xi32, #tpu.memory_space<hbm>> -> memref<1x128xi32, #tpu.memory_space<hbm>>
    %dma_start3A_156 = tpu.memref_squeeze %dma_start3A_155 : memref<1x128xi32, #tpu.memory_space<hbm>> -> memref<128xi32, #tpu.memory_space<hbm>>
    %dma_start3A_157 = arith.constant 0 : i32
    %dma_start3A_158 = tpu.memref_slice %arg4[%min3A_147, %dma_start3A_157] : memref<2500x128xi32, #tpu.memory_space<hbm>> -> memref<1x128xi32, #tpu.memory_space<hbm>>
    %dma_start3A_159 = tpu.memref_squeeze %dma_start3A_158 : memref<1x128xi32, #tpu.memory_space<hbm>> -> memref<128xi32, #tpu.memory_space<hbm>>
    tpu.enqueue_dma source(%dma_start3A_159 : memref<128xi32, #tpu.memory_space<hbm>>) target(%arg18 : memref<128xi32, #tpu.memory_space<vmem>>) target_semaphore(%arg28 : memref<!tpu.dma_semaphore, #tpu.memory_space<semaphore_mem>>)
    %add3A_160 = arith.constant 2400 : i32
    %add3A_161 = arith.addi %add3A, %add3A_160 : i32
    %min3A_162 = arith.constant 2499 : i32
    %min3A_163 = arith.minsi %add3A_161, %min3A_162 : i32
    %dma_wait3A_164 = arith.constant 0 : i32
    %dma_wait3A_165 = tpu.memref_slice %arg3[%min3A_163, %dma_wait3A_164] : memref<2500x128xi32, #tpu.memory_space<hbm>> -> memref<1x128xi32, #tpu.memory_space<hbm>>
    %dma_wait3A_166 = tpu.memref_squeeze %dma_wait3A_165 : memref<1x128xi32, #tpu.memory_space<hbm>> -> memref<128xi32, #tpu.memory_space<hbm>>
    %dma_wait3A_167 = arith.constant 0 : i32
    %dma_wait3A_168 = tpu.memref_slice %arg3[%min3A_163, %dma_wait3A_167] : memref<2500x128xi32, #tpu.memory_space<hbm>> -> memref<1x128xi32, #tpu.memory_space<hbm>>
    %dma_wait3A_169 = tpu.memref_squeeze %dma_wait3A_168 : memref<1x128xi32, #tpu.memory_space<hbm>> -> memref<128xi32, #tpu.memory_space<hbm>>
    tpu.wait_dma2 semaphore(%arg26 : memref<!tpu.dma_semaphore, #tpu.memory_space<semaphore_mem>>) src(%dma_wait3A_169 : memref<128xi32, #tpu.memory_space<hbm>>) dst(%arg16 : memref<128xi32, #tpu.memory_space<vmem>>)
    %dma_start3A_170 = arith.constant 0 : i32
    %dma_start3A_171 = arith.constant 0 : i32
    %dma_start3A_172 = tpu.memref_slice %arg2[%dma_start3A_170, %dma_start3A_171] : memref<10000x128xf32, #tpu.memory_space<hbm>> -> memref<10000x128xf32, #tpu.memory_space<hbm>>
    tpu.enqueue_indirect_dma source(%dma_start3A_172 : memref<10000x128xf32, #tpu.memory_space<hbm>>) target(%arg22 : memref<128x128xf32, #tpu.memory_space<vmem>>) offsets(%arg16 : memref<128xi32, #tpu.memory_space<vmem>>) semaphore(%arg32 : memref<!tpu.dma_semaphore, #tpu.memory_space<semaphore_mem>>)
    %add3A_173 = arith.constant 2368 : i32
    %add3A_174 = arith.addi %add3A, %add3A_173 : i32
    %dma_wait3A_175 = arith.constant 0 : i32
    %dma_wait3A_176 = tpu.memref_slice %arg4[%add3A_174, %dma_wait3A_175] : memref<2500x128xi32, #tpu.memory_space<hbm>> -> memref<1x128xi32, #tpu.memory_space<hbm>>
    %dma_wait3A_177 = tpu.memref_squeeze %dma_wait3A_176 : memref<1x128xi32, #tpu.memory_space<hbm>> -> memref<128xi32, #tpu.memory_space<hbm>>
    %dma_wait3A_178 = arith.constant 0 : i32
    %dma_wait3A_179 = tpu.memref_slice %arg4[%add3A_174, %dma_wait3A_178] : memref<2500x128xi32, #tpu.memory_space<hbm>> -> memref<1x128xi32, #tpu.memory_space<hbm>>
    %dma_wait3A_180 = tpu.memref_squeeze %dma_wait3A_179 : memref<1x128xi32, #tpu.memory_space<hbm>> -> memref<128xi32, #tpu.memory_space<hbm>>
    tpu.wait_dma2 semaphore(%arg29 : memref<!tpu.dma_semaphore, #tpu.memory_space<semaphore_mem>>) src(%dma_wait3A_180 : memref<128xi32, #tpu.memory_space<hbm>>) dst(%arg19 : memref<128xi32, #tpu.memory_space<vmem>>)
    %dma_wait3A_181 = arith.constant 0 : i32
    %dma_wait3A_182 = arith.constant 0 : i32
    %dma_wait3A_183 = tpu.memref_slice %arg2[%dma_wait3A_181, %dma_wait3A_182] : memref<10000x128xf32, #tpu.memory_space<hbm>> -> memref<10000x128xf32, #tpu.memory_space<hbm>>
    tpu.wait_indirect_dma semaphore(%arg31 : memref<!tpu.dma_semaphore, #tpu.memory_space<semaphore_mem>>) src(%dma_wait3A_183 : memref<10000x128xf32, #tpu.memory_space<hbm>>) dst(%arg21 : memref<128x128xf32, #tpu.memory_space<vmem>>)
    "tpu.region"() ({
      %run_scoped3A = tpu.sem_alloc : memref<!tpu.dma_semaphore, #tpu.memory_space<semaphore_mem>>
      %dma_start3A_310 = arith.constant 0 : i32
      %dma_start3A_311 = arith.constant 0 : i32
      %dma_start3A_312 = tpu.memref_slice %arg10[%dma_start3A_310, %dma_start3A_311] : memref<10240x128xf32, #tpu.memory_space<vmem_shared>> -> memref<10240x128xf32, #tpu.memory_space<vmem_shared>>
      tpu.enqueue_indirect_dma source(%arg21 : memref<128x128xf32, #tpu.memory_space<vmem>>) target(%dma_start3A_312 : memref<10240x128xf32, #tpu.memory_space<vmem_shared>>) offsets(%arg19 : memref<128xi32, #tpu.memory_space<vmem>>) semaphore(%run_scoped3A : memref<!tpu.dma_semaphore, #tpu.memory_space<semaphore_mem>>) {add = true}
      %dma_wait3A_313 = arith.constant 0 : i32
      %dma_wait3A_314 = arith.constant 0 : i32
      %dma_wait3A_315 = tpu.memref_slice %arg10[%dma_wait3A_313, %dma_wait3A_314] : memref<10240x128xf32, #tpu.memory_space<vmem_shared>> -> memref<10240x128xf32, #tpu.memory_space<vmem_shared>>
      tpu.wait_indirect_dma semaphore(%run_scoped3A : memref<!tpu.dma_semaphore, #tpu.memory_space<semaphore_mem>>) src(%arg21 : memref<128x128xf32, #tpu.memory_space<vmem>>) dst(%dma_wait3A_315 : memref<10240x128xf32, #tpu.memory_space<vmem_shared>>)
      tpu.yield
    }) : () -> ()
    "tpu.region"() ({
      %run_scoped3A = tpu.sem_alloc : memref<!tpu.dma_semaphore, #tpu.memory_space<semaphore_mem>>
      %dma_start3A_310 = arith.constant 0 : i32
      %dma_start3A_311 = arith.constant 0 : i32
      %dma_start3A_312 = tpu.memref_slice %arg11[%dma_start3A_310, %dma_start3A_311] : memref<10240x16xi16, #tpu.memory_space<vmem_shared>> -> memref<10240x16xi16, #tpu.memory_space<vmem_shared>>
      tpu.enqueue_indirect_dma source(%arg12 : memref<128x16xi16, #tpu.memory_space<vmem>>) target(%dma_start3A_312 : memref<10240x16xi16, #tpu.memory_space<vmem_shared>>) offsets(%arg19 : memref<128xi32, #tpu.memory_space<vmem>>) semaphore(%run_scoped3A : memref<!tpu.dma_semaphore, #tpu.memory_space<semaphore_mem>>) {add = true}
      %dma_wait3A_313 = arith.constant 0 : i32
      %dma_wait3A_314 = arith.constant 0 : i32
      %dma_wait3A_315 = tpu.memref_slice %arg11[%dma_wait3A_313, %dma_wait3A_314] : memref<10240x16xi16, #tpu.memory_space<vmem_shared>> -> memref<10240x16xi16, #tpu.memory_space<vmem_shared>>
      tpu.wait_indirect_dma semaphore(%run_scoped3A : memref<!tpu.dma_semaphore, #tpu.memory_space<semaphore_mem>>) src(%arg12 : memref<128x16xi16, #tpu.memory_space<vmem>>) dst(%dma_wait3A_315 : memref<10240x16xi16, #tpu.memory_space<vmem_shared>>)
      tpu.yield
    }) : () -> ()
    %add3A_184 = arith.constant 2496 : i32
    %add3A_185 = arith.addi %add3A, %add3A_184 : i32
    %min3A_186 = arith.constant 2499 : i32
    %min3A_187 = arith.minsi %add3A_185, %min3A_186 : i32
    %dma_start3A_188 = arith.constant 0 : i32
    %dma_start3A_189 = tpu.memref_slice %arg3[%min3A_187, %dma_start3A_188] : memref<2500x128xi32, #tpu.memory_space<hbm>> -> memref<1x128xi32, #tpu.memory_space<hbm>>
    %dma_start3A_190 = tpu.memref_squeeze %dma_start3A_189 : memref<1x128xi32, #tpu.memory_space<hbm>> -> memref<128xi32, #tpu.memory_space<hbm>>
    %dma_start3A_191 = arith.constant 0 : i32
    %dma_start3A_192 = tpu.memref_slice %arg3[%min3A_187, %dma_start3A_191] : memref<2500x128xi32, #tpu.memory_space<hbm>> -> memref<1x128xi32, #tpu.memory_space<hbm>>
    %dma_start3A_193 = tpu.memref_squeeze %dma_start3A_192 : memref<1x128xi32, #tpu.memory_space<hbm>> -> memref<128xi32, #tpu.memory_space<hbm>>
    tpu.enqueue_dma source(%dma_start3A_193 : memref<128xi32, #tpu.memory_space<hbm>>) target(%arg15 : memref<128xi32, #tpu.memory_space<vmem>>) target_semaphore(%arg25 : memref<!tpu.dma_semaphore, #tpu.memory_space<semaphore_mem>>)
    %dma_start3A_194 = arith.constant 0 : i32
    %dma_start3A_195 = tpu.memref_slice %arg4[%min3A_187, %dma_start3A_194] : memref<2500x128xi32, #tpu.memory_space<hbm>> -> memref<1x128xi32, #tpu.memory_space<hbm>>
    %dma_start3A_196 = tpu.memref_squeeze %dma_start3A_195 : memref<1x128xi32, #tpu.memory_space<hbm>> -> memref<128xi32, #tpu.memory_space<hbm>>
    %dma_start3A_197 = arith.constant 0 : i32
    %dma_start3A_198 = tpu.memref_slice %arg4[%min3A_187, %dma_start3A_197] : memref<2500x128xi32, #tpu.memory_space<hbm>> -> memref<1x128xi32, #tpu.memory_space<hbm>>
    %dma_start3A_199 = tpu.memref_squeeze %dma_start3A_198 : memref<1x128xi32, #tpu.memory_space<hbm>> -> memref<128xi32, #tpu.memory_space<hbm>>
    tpu.enqueue_dma source(%dma_start3A_199 : memref<128xi32, #tpu.memory_space<hbm>>) target(%arg19 : memref<128xi32, #tpu.memory_space<vmem>>) target_semaphore(%arg29 : memref<!tpu.dma_semaphore, #tpu.memory_space<semaphore_mem>>)
    %add3A_200 = arith.constant 2432 : i32
    %add3A_201 = arith.addi %add3A, %add3A_200 : i32
    %min3A_202 = arith.constant 2499 : i32
    %min3A_203 = arith.minsi %add3A_201, %min3A_202 : i32
    %dma_wait3A_204 = arith.constant 0 : i32
    %dma_wait3A_205 = tpu.memref_slice %arg3[%min3A_203, %dma_wait3A_204] : memref<2500x128xi32, #tpu.memory_space<hbm>> -> memref<1x128xi32, #tpu.memory_space<hbm>>
    %dma_wait3A_206 = tpu.memref_squeeze %dma_wait3A_205 : memref<1x128xi32, #tpu.memory_space<hbm>> -> memref<128xi32, #tpu.memory_space<hbm>>
    %dma_wait3A_207 = arith.constant 0 : i32
    %dma_wait3A_208 = tpu.memref_slice %arg3[%min3A_203, %dma_wait3A_207] : memref<2500x128xi32, #tpu.memory_space<hbm>> -> memref<1x128xi32, #tpu.memory_space<hbm>>
    %dma_wait3A_209 = tpu.memref_squeeze %dma_wait3A_208 : memref<1x128xi32, #tpu.memory_space<hbm>> -> memref<128xi32, #tpu.memory_space<hbm>>
    tpu.wait_dma2 semaphore(%arg23 : memref<!tpu.dma_semaphore, #tpu.memory_space<semaphore_mem>>) src(%dma_wait3A_209 : memref<128xi32, #tpu.memory_space<hbm>>) dst(%arg13 : memref<128xi32, #tpu.memory_space<vmem>>)
    %dma_start3A_210 = arith.constant 0 : i32
    %dma_start3A_211 = arith.constant 0 : i32
    %dma_start3A_212 = tpu.memref_slice %arg2[%dma_start3A_210, %dma_start3A_211] : memref<10000x128xf32, #tpu.memory_space<hbm>> -> memref<10000x128xf32, #tpu.memory_space<hbm>>
    tpu.enqueue_indirect_dma source(%dma_start3A_212 : memref<10000x128xf32, #tpu.memory_space<hbm>>) target(%arg21 : memref<128x128xf32, #tpu.memory_space<vmem>>) offsets(%arg13 : memref<128xi32, #tpu.memory_space<vmem>>) semaphore(%arg31 : memref<!tpu.dma_semaphore, #tpu.memory_space<semaphore_mem>>)
    %add3A_213 = arith.constant 2400 : i32
    %add3A_214 = arith.addi %add3A, %add3A_213 : i32
    %dma_wait3A_215 = arith.constant 0 : i32
    %dma_wait3A_216 = tpu.memref_slice %arg4[%add3A_214, %dma_wait3A_215] : memref<2500x128xi32, #tpu.memory_space<hbm>> -> memref<1x128xi32, #tpu.memory_space<hbm>>
    %dma_wait3A_217 = tpu.memref_squeeze %dma_wait3A_216 : memref<1x128xi32, #tpu.memory_space<hbm>> -> memref<128xi32, #tpu.memory_space<hbm>>
    %dma_wait3A_218 = arith.constant 0 : i32
    %dma_wait3A_219 = tpu.memref_slice %arg4[%add3A_214, %dma_wait3A_218] : memref<2500x128xi32, #tpu.memory_space<hbm>> -> memref<1x128xi32, #tpu.memory_space<hbm>>
    %dma_wait3A_220 = tpu.memref_squeeze %dma_wait3A_219 : memref<1x128xi32, #tpu.memory_space<hbm>> -> memref<128xi32, #tpu.memory_space<hbm>>
    tpu.wait_dma2 semaphore(%arg30 : memref<!tpu.dma_semaphore, #tpu.memory_space<semaphore_mem>>) src(%dma_wait3A_220 : memref<128xi32, #tpu.memory_space<hbm>>) dst(%arg20 : memref<128xi32, #tpu.memory_space<vmem>>)
    %dma_wait3A_221 = arith.constant 0 : i32
    %dma_wait3A_222 = arith.constant 0 : i32
    %dma_wait3A_223 = tpu.memref_slice %arg2[%dma_wait3A_221, %dma_wait3A_222] : memref<10000x128xf32, #tpu.memory_space<hbm>> -> memref<10000x128xf32, #tpu.memory_space<hbm>>
    tpu.wait_indirect_dma semaphore(%arg32 : memref<!tpu.dma_semaphore, #tpu.memory_space<semaphore_mem>>) src(%dma_wait3A_223 : memref<10000x128xf32, #tpu.memory_space<hbm>>) dst(%arg22 : memref<128x128xf32, #tpu.memory_space<vmem>>)
    "tpu.region"() ({
      %run_scoped3A = tpu.sem_alloc : memref<!tpu.dma_semaphore, #tpu.memory_space<semaphore_mem>>
      %dma_start3A_310 = arith.constant 0 : i32
      %dma_start3A_311 = arith.constant 0 : i32
      %dma_start3A_312 = tpu.memref_slice %arg10[%dma_start3A_310, %dma_start3A_311] : memref<10240x128xf32, #tpu.memory_space<vmem_shared>> -> memref<10240x128xf32, #tpu.memory_space<vmem_shared>>
      tpu.enqueue_indirect_dma source(%arg22 : memref<128x128xf32, #tpu.memory_space<vmem>>) target(%dma_start3A_312 : memref<10240x128xf32, #tpu.memory_space<vmem_shared>>) offsets(%arg20 : memref<128xi32, #tpu.memory_space<vmem>>) semaphore(%run_scoped3A : memref<!tpu.dma_semaphore, #tpu.memory_space<semaphore_mem>>) {add = true}
      %dma_wait3A_313 = arith.constant 0 : i32
      %dma_wait3A_314 = arith.constant 0 : i32
      %dma_wait3A_315 = tpu.memref_slice %arg10[%dma_wait3A_313, %dma_wait3A_314] : memref<10240x128xf32, #tpu.memory_space<vmem_shared>> -> memref<10240x128xf32, #tpu.memory_space<vmem_shared>>
      tpu.wait_indirect_dma semaphore(%run_scoped3A : memref<!tpu.dma_semaphore, #tpu.memory_space<semaphore_mem>>) src(%arg22 : memref<128x128xf32, #tpu.memory_space<vmem>>) dst(%dma_wait3A_315 : memref<10240x128xf32, #tpu.memory_space<vmem_shared>>)
      tpu.yield
    }) : () -> ()
    "tpu.region"() ({
      %run_scoped3A = tpu.sem_alloc : memref<!tpu.dma_semaphore, #tpu.memory_space<semaphore_mem>>
      %dma_start3A_310 = arith.constant 0 : i32
      %dma_start3A_311 = arith.constant 0 : i32
      %dma_start3A_312 = tpu.memref_slice %arg11[%dma_start3A_310, %dma_start3A_311] : memref<10240x16xi16, #tpu.memory_space<vmem_shared>> -> memref<10240x16xi16, #tpu.memory_space<vmem_shared>>
      tpu.enqueue_indirect_dma source(%arg12 : memref<128x16xi16, #tpu.memory_space<vmem>>) target(%dma_start3A_312 : memref<10240x16xi16, #tpu.memory_space<vmem_shared>>) offsets(%arg20 : memref<128xi32, #tpu.memory_space<vmem>>) semaphore(%run_scoped3A : memref<!tpu.dma_semaphore, #tpu.memory_space<semaphore_mem>>) {add = true}
      %dma_wait3A_313 = arith.constant 0 : i32
      %dma_wait3A_314 = arith.constant 0 : i32
      %dma_wait3A_315 = tpu.memref_slice %arg11[%dma_wait3A_313, %dma_wait3A_314] : memref<10240x16xi16, #tpu.memory_space<vmem_shared>> -> memref<10240x16xi16, #tpu.memory_space<vmem_shared>>
      tpu.wait_indirect_dma semaphore(%run_scoped3A : memref<!tpu.dma_semaphore, #tpu.memory_space<semaphore_mem>>) src(%arg12 : memref<128x16xi16, #tpu.memory_space<vmem>>) dst(%dma_wait3A_315 : memref<10240x16xi16, #tpu.memory_space<vmem_shared>>)
      tpu.yield
    }) : () -> ()
    %add3A_224 = arith.constant 2464 : i32
    %add3A_225 = arith.addi %add3A, %add3A_224 : i32
    %min3A_226 = arith.constant 2499 : i32
    %min3A_227 = arith.minsi %add3A_225, %min3A_226 : i32
    %dma_wait3A_228 = arith.constant 0 : i32
    %dma_wait3A_229 = tpu.memref_slice %arg3[%min3A_227, %dma_wait3A_228] : memref<2500x128xi32, #tpu.memory_space<hbm>> -> memref<1x128xi32, #tpu.memory_space<hbm>>
    %dma_wait3A_230 = tpu.memref_squeeze %dma_wait3A_229 : memref<1x128xi32, #tpu.memory_space<hbm>> -> memref<128xi32, #tpu.memory_space<hbm>>
    %dma_wait3A_231 = arith.constant 0 : i32
    %dma_wait3A_232 = tpu.memref_slice %arg3[%min3A_227, %dma_wait3A_231] : memref<2500x128xi32, #tpu.memory_space<hbm>> -> memref<1x128xi32, #tpu.memory_space<hbm>>
    %dma_wait3A_233 = tpu.memref_squeeze %dma_wait3A_232 : memref<1x128xi32, #tpu.memory_space<hbm>> -> memref<128xi32, #tpu.memory_space<hbm>>
    tpu.wait_dma2 semaphore(%arg24 : memref<!tpu.dma_semaphore, #tpu.memory_space<semaphore_mem>>) src(%dma_wait3A_233 : memref<128xi32, #tpu.memory_space<hbm>>) dst(%arg14 : memref<128xi32, #tpu.memory_space<vmem>>)
    %dma_start3A_234 = arith.constant 0 : i32
    %dma_start3A_235 = arith.constant 0 : i32
    %dma_start3A_236 = tpu.memref_slice %arg2[%dma_start3A_234, %dma_start3A_235] : memref<10000x128xf32, #tpu.memory_space<hbm>> -> memref<10000x128xf32, #tpu.memory_space<hbm>>
    tpu.enqueue_indirect_dma source(%dma_start3A_236 : memref<10000x128xf32, #tpu.memory_space<hbm>>) target(%arg22 : memref<128x128xf32, #tpu.memory_space<vmem>>) offsets(%arg14 : memref<128xi32, #tpu.memory_space<vmem>>) semaphore(%arg32 : memref<!tpu.dma_semaphore, #tpu.memory_space<semaphore_mem>>)
    %add3A_237 = arith.constant 2432 : i32
    %add3A_238 = arith.addi %add3A, %add3A_237 : i32
    %dma_wait3A_239 = arith.constant 0 : i32
    %dma_wait3A_240 = tpu.memref_slice %arg4[%add3A_238, %dma_wait3A_239] : memref<2500x128xi32, #tpu.memory_space<hbm>> -> memref<1x128xi32, #tpu.memory_space<hbm>>
    %dma_wait3A_241 = tpu.memref_squeeze %dma_wait3A_240 : memref<1x128xi32, #tpu.memory_space<hbm>> -> memref<128xi32, #tpu.memory_space<hbm>>
    %dma_wait3A_242 = arith.constant 0 : i32
    %dma_wait3A_243 = tpu.memref_slice %arg4[%add3A_238, %dma_wait3A_242] : memref<2500x128xi32, #tpu.memory_space<hbm>> -> memref<1x128xi32, #tpu.memory_space<hbm>>
    %dma_wait3A_244 = tpu.memref_squeeze %dma_wait3A_243 : memref<1x128xi32, #tpu.memory_space<hbm>> -> memref<128xi32, #tpu.memory_space<hbm>>
    tpu.wait_dma2 semaphore(%arg27 : memref<!tpu.dma_semaphore, #tpu.memory_space<semaphore_mem>>) src(%dma_wait3A_244 : memref<128xi32, #tpu.memory_space<hbm>>) dst(%arg17 : memref<128xi32, #tpu.memory_space<vmem>>)
    %dma_wait3A_245 = arith.constant 0 : i32
    %dma_wait3A_246 = arith.constant 0 : i32
    %dma_wait3A_247 = tpu.memref_slice %arg2[%dma_wait3A_245, %dma_wait3A_246] : memref<10000x128xf32, #tpu.memory_space<hbm>> -> memref<10000x128xf32, #tpu.memory_space<hbm>>
    tpu.wait_indirect_dma semaphore(%arg31 : memref<!tpu.dma_semaphore, #tpu.memory_space<semaphore_mem>>) src(%dma_wait3A_247 : memref<10000x128xf32, #tpu.memory_space<hbm>>) dst(%arg21 : memref<128x128xf32, #tpu.memory_space<vmem>>)
    "tpu.region"() ({
      %run_scoped3A = tpu.sem_alloc : memref<!tpu.dma_semaphore, #tpu.memory_space<semaphore_mem>>
      %dma_start3A_310 = arith.constant 0 : i32
      %dma_start3A_311 = arith.constant 0 : i32
      %dma_start3A_312 = tpu.memref_slice %arg10[%dma_start3A_310, %dma_start3A_311] : memref<10240x128xf32, #tpu.memory_space<vmem_shared>> -> memref<10240x128xf32, #tpu.memory_space<vmem_shared>>
      tpu.enqueue_indirect_dma source(%arg21 : memref<128x128xf32, #tpu.memory_space<vmem>>) target(%dma_start3A_312 : memref<10240x128xf32, #tpu.memory_space<vmem_shared>>) offsets(%arg17 : memref<128xi32, #tpu.memory_space<vmem>>) semaphore(%run_scoped3A : memref<!tpu.dma_semaphore, #tpu.memory_space<semaphore_mem>>) {add = true}
      %dma_wait3A_313 = arith.constant 0 : i32
      %dma_wait3A_314 = arith.constant 0 : i32
      %dma_wait3A_315 = tpu.memref_slice %arg10[%dma_wait3A_313, %dma_wait3A_314] : memref<10240x128xf32, #tpu.memory_space<vmem_shared>> -> memref<10240x128xf32, #tpu.memory_space<vmem_shared>>
      tpu.wait_indirect_dma semaphore(%run_scoped3A : memref<!tpu.dma_semaphore, #tpu.memory_space<semaphore_mem>>) src(%arg21 : memref<128x128xf32, #tpu.memory_space<vmem>>) dst(%dma_wait3A_315 : memref<10240x128xf32, #tpu.memory_space<vmem_shared>>)
      tpu.yield
    }) : () -> ()
    "tpu.region"() ({
      %run_scoped3A = tpu.sem_alloc : memref<!tpu.dma_semaphore, #tpu.memory_space<semaphore_mem>>
      %dma_start3A_310 = arith.constant 0 : i32
      %dma_start3A_311 = arith.constant 0 : i32
      %dma_start3A_312 = tpu.memref_slice %arg11[%dma_start3A_310, %dma_start3A_311] : memref<10240x16xi16, #tpu.memory_space<vmem_shared>> -> memref<10240x16xi16, #tpu.memory_space<vmem_shared>>
      tpu.enqueue_indirect_dma source(%arg12 : memref<128x16xi16, #tpu.memory_space<vmem>>) target(%dma_start3A_312 : memref<10240x16xi16, #tpu.memory_space<vmem_shared>>) offsets(%arg17 : memref<128xi32, #tpu.memory_space<vmem>>) semaphore(%run_scoped3A : memref<!tpu.dma_semaphore, #tpu.memory_space<semaphore_mem>>) {add = true}
      %dma_wait3A_313 = arith.constant 0 : i32
      %dma_wait3A_314 = arith.constant 0 : i32
      %dma_wait3A_315 = tpu.memref_slice %arg11[%dma_wait3A_313, %dma_wait3A_314] : memref<10240x16xi16, #tpu.memory_space<vmem_shared>> -> memref<10240x16xi16, #tpu.memory_space<vmem_shared>>
      tpu.wait_indirect_dma semaphore(%run_scoped3A : memref<!tpu.dma_semaphore, #tpu.memory_space<semaphore_mem>>) src(%arg12 : memref<128x16xi16, #tpu.memory_space<vmem>>) dst(%dma_wait3A_315 : memref<10240x16xi16, #tpu.memory_space<vmem_shared>>)
      tpu.yield
    }) : () -> ()
    %add3A_248 = arith.constant 2496 : i32
    %add3A_249 = arith.addi %add3A, %add3A_248 : i32
    %min3A_250 = arith.constant 2499 : i32
    %min3A_251 = arith.minsi %add3A_249, %min3A_250 : i32
    %dma_wait3A_252 = arith.constant 0 : i32
    %dma_wait3A_253 = tpu.memref_slice %arg3[%min3A_251, %dma_wait3A_252] : memref<2500x128xi32, #tpu.memory_space<hbm>> -> memref<1x128xi32, #tpu.memory_space<hbm>>
    %dma_wait3A_254 = tpu.memref_squeeze %dma_wait3A_253 : memref<1x128xi32, #tpu.memory_space<hbm>> -> memref<128xi32, #tpu.memory_space<hbm>>
    %dma_wait3A_255 = arith.constant 0 : i32
    %dma_wait3A_256 = tpu.memref_slice %arg3[%min3A_251, %dma_wait3A_255] : memref<2500x128xi32, #tpu.memory_space<hbm>> -> memref<1x128xi32, #tpu.memory_space<hbm>>
    %dma_wait3A_257 = tpu.memref_squeeze %dma_wait3A_256 : memref<1x128xi32, #tpu.memory_space<hbm>> -> memref<128xi32, #tpu.memory_space<hbm>>
    tpu.wait_dma2 semaphore(%arg25 : memref<!tpu.dma_semaphore, #tpu.memory_space<semaphore_mem>>) src(%dma_wait3A_257 : memref<128xi32, #tpu.memory_space<hbm>>) dst(%arg15 : memref<128xi32, #tpu.memory_space<vmem>>)
    %dma_start3A_258 = arith.constant 0 : i32
    %dma_start3A_259 = arith.constant 0 : i32
    %dma_start3A_260 = tpu.memref_slice %arg2[%dma_start3A_258, %dma_start3A_259] : memref<10000x128xf32, #tpu.memory_space<hbm>> -> memref<10000x128xf32, #tpu.memory_space<hbm>>
    tpu.enqueue_indirect_dma source(%dma_start3A_260 : memref<10000x128xf32, #tpu.memory_space<hbm>>) target(%arg21 : memref<128x128xf32, #tpu.memory_space<vmem>>) offsets(%arg15 : memref<128xi32, #tpu.memory_space<vmem>>) semaphore(%arg31 : memref<!tpu.dma_semaphore, #tpu.memory_space<semaphore_mem>>)
    %add3A_261 = arith.constant 2464 : i32
    %add3A_262 = arith.addi %add3A, %add3A_261 : i32
    %dma_wait3A_263 = arith.constant 0 : i32
    %dma_wait3A_264 = tpu.memref_slice %arg4[%add3A_262, %dma_wait3A_263] : memref<2500x128xi32, #tpu.memory_space<hbm>> -> memref<1x128xi32, #tpu.memory_space<hbm>>
    %dma_wait3A_265 = tpu.memref_squeeze %dma_wait3A_264 : memref<1x128xi32, #tpu.memory_space<hbm>> -> memref<128xi32, #tpu.memory_space<hbm>>
    %dma_wait3A_266 = arith.constant 0 : i32
    %dma_wait3A_267 = tpu.memref_slice %arg4[%add3A_262, %dma_wait3A_266] : memref<2500x128xi32, #tpu.memory_space<hbm>> -> memref<1x128xi32, #tpu.memory_space<hbm>>
    %dma_wait3A_268 = tpu.memref_squeeze %dma_wait3A_267 : memref<1x128xi32, #tpu.memory_space<hbm>> -> memref<128xi32, #tpu.memory_space<hbm>>
    tpu.wait_dma2 semaphore(%arg28 : memref<!tpu.dma_semaphore, #tpu.memory_space<semaphore_mem>>) src(%dma_wait3A_268 : memref<128xi32, #tpu.memory_space<hbm>>) dst(%arg18 : memref<128xi32, #tpu.memory_space<vmem>>)
    %dma_wait3A_269 = arith.constant 0 : i32
    %dma_wait3A_270 = arith.constant 0 : i32
    %dma_wait3A_271 = tpu.memref_slice %arg2[%dma_wait3A_269, %dma_wait3A_270] : memref<10000x128xf32, #tpu.memory_space<hbm>> -> memref<10000x128xf32, #tpu.memory_space<hbm>>
    tpu.wait_indirect_dma semaphore(%arg32 : memref<!tpu.dma_semaphore, #tpu.memory_space<semaphore_mem>>) src(%dma_wait3A_271 : memref<10000x128xf32, #tpu.memory_space<hbm>>) dst(%arg22 : memref<128x128xf32, #tpu.memory_space<vmem>>)
    "tpu.region"() ({
      %run_scoped3A = tpu.sem_alloc : memref<!tpu.dma_semaphore, #tpu.memory_space<semaphore_mem>>
      %dma_start3A_310 = arith.constant 0 : i32
      %dma_start3A_311 = arith.constant 0 : i32
      %dma_start3A_312 = tpu.memref_slice %arg10[%dma_start3A_310, %dma_start3A_311] : memref<10240x128xf32, #tpu.memory_space<vmem_shared>> -> memref<10240x128xf32, #tpu.memory_space<vmem_shared>>
      tpu.enqueue_indirect_dma source(%arg22 : memref<128x128xf32, #tpu.memory_space<vmem>>) target(%dma_start3A_312 : memref<10240x128xf32, #tpu.memory_space<vmem_shared>>) offsets(%arg18 : memref<128xi32, #tpu.memory_space<vmem>>) semaphore(%run_scoped3A : memref<!tpu.dma_semaphore, #tpu.memory_space<semaphore_mem>>) {add = true}
      %dma_wait3A_313 = arith.constant 0 : i32
      %dma_wait3A_314 = arith.constant 0 : i32
      %dma_wait3A_315 = tpu.memref_slice %arg10[%dma_wait3A_313, %dma_wait3A_314] : memref<10240x128xf32, #tpu.memory_space<vmem_shared>> -> memref<10240x128xf32, #tpu.memory_space<vmem_shared>>
      tpu.wait_indirect_dma semaphore(%run_scoped3A : memref<!tpu.dma_semaphore, #tpu.memory_space<semaphore_mem>>) src(%arg22 : memref<128x128xf32, #tpu.memory_space<vmem>>) dst(%dma_wait3A_315 : memref<10240x128xf32, #tpu.memory_space<vmem_shared>>)
      tpu.yield
    }) : () -> ()
    "tpu.region"() ({
      %run_scoped3A = tpu.sem_alloc : memref<!tpu.dma_semaphore, #tpu.memory_space<semaphore_mem>>
      %dma_start3A_310 = arith.constant 0 : i32
      %dma_start3A_311 = arith.constant 0 : i32
      %dma_start3A_312 = tpu.memref_slice %arg11[%dma_start3A_310, %dma_start3A_311] : memref<10240x16xi16, #tpu.memory_space<vmem_shared>> -> memref<10240x16xi16, #tpu.memory_space<vmem_shared>>
      tpu.enqueue_indirect_dma source(%arg12 : memref<128x16xi16, #tpu.memory_space<vmem>>) target(%dma_start3A_312 : memref<10240x16xi16, #tpu.memory_space<vmem_shared>>) offsets(%arg18 : memref<128xi32, #tpu.memory_space<vmem>>) semaphore(%run_scoped3A : memref<!tpu.dma_semaphore, #tpu.memory_space<semaphore_mem>>) {add = true}
      %dma_wait3A_313 = arith.constant 0 : i32
      %dma_wait3A_314 = arith.constant 0 : i32
      %dma_wait3A_315 = tpu.memref_slice %arg11[%dma_wait3A_313, %dma_wait3A_314] : memref<10240x16xi16, #tpu.memory_space<vmem_shared>> -> memref<10240x16xi16, #tpu.memory_space<vmem_shared>>
      tpu.wait_indirect_dma semaphore(%run_scoped3A : memref<!tpu.dma_semaphore, #tpu.memory_space<semaphore_mem>>) src(%arg12 : memref<128x16xi16, #tpu.memory_space<vmem>>) dst(%dma_wait3A_315 : memref<10240x16xi16, #tpu.memory_space<vmem_shared>>)
      tpu.yield
    }) : () -> ()
    %add3A_272 = arith.constant 2496 : i32
    %add3A_273 = arith.addi %add3A, %add3A_272 : i32
    %min3A_274 = arith.constant 2499 : i32
    %min3A_275 = arith.minsi %add3A_273, %min3A_274 : i32
    %dma_wait3A_276 = arith.constant 0 : i32
    %dma_wait3A_277 = tpu.memref_slice %arg4[%min3A_275, %dma_wait3A_276] : memref<2500x128xi32, #tpu.memory_space<hbm>> -> memref<1x128xi32, #tpu.memory_space<hbm>>
    %dma_wait3A_278 = tpu.memref_squeeze %dma_wait3A_277 : memref<1x128xi32, #tpu.memory_space<hbm>> -> memref<128xi32, #tpu.memory_space<hbm>>
    %dma_wait3A_279 = arith.constant 0 : i32
    %dma_wait3A_280 = tpu.memref_slice %arg4[%min3A_275, %dma_wait3A_279] : memref<2500x128xi32, #tpu.memory_space<hbm>> -> memref<1x128xi32, #tpu.memory_space<hbm>>
    %dma_wait3A_281 = tpu.memref_squeeze %dma_wait3A_280 : memref<1x128xi32, #tpu.memory_space<hbm>> -> memref<128xi32, #tpu.memory_space<hbm>>
    tpu.wait_dma2 semaphore(%arg29 : memref<!tpu.dma_semaphore, #tpu.memory_space<semaphore_mem>>) src(%dma_wait3A_281 : memref<128xi32, #tpu.memory_space<hbm>>) dst(%arg19 : memref<128xi32, #tpu.memory_space<vmem>>)
    %dma_wait3A_282 = arith.constant 0 : i32
    %dma_wait3A_283 = arith.constant 0 : i32
    %dma_wait3A_284 = tpu.memref_slice %arg2[%dma_wait3A_282, %dma_wait3A_283] : memref<10000x128xf32, #tpu.memory_space<hbm>> -> memref<10000x128xf32, #tpu.memory_space<hbm>>
    tpu.wait_indirect_dma semaphore(%arg31 : memref<!tpu.dma_semaphore, #tpu.memory_space<semaphore_mem>>) src(%dma_wait3A_284 : memref<10000x128xf32, #tpu.memory_space<hbm>>) dst(%arg21 : memref<128x128xf32, #tpu.memory_space<vmem>>)
    %ge3A = arith.constant 4 : i32
    %ge3A_285 = arith.cmpi sge, %add3A, %ge3A : i32
    %convert_element_type3A = arith.extui %ge3A_285 : i1 to i32
    %cond3A = arith.constant 0 : i32
    %cond3A_286 = arith.cmpi ne, %convert_element_type3A, %cond3A : i32
    scf.if %cond3A_286 {
      %iota3A = tpu.iota {dimensions = array<i32: 0>} : vector<16xi32>
      %add3A_310 = arith.constant 10000 : i32
      %add3A_311 = vector.broadcast %add3A_310 : i32 to vector<16xi32>
      %add3A_312 = arith.addi %add3A_311, %iota3A : vector<16xi32>
      %swap3A = arith.constant 0 : index
      %swap3A_313 = tpu.vector_load %arg19[%swap3A] {strides = array<i32>} : memref<128xi32, #tpu.memory_space<vmem>>, vector<16xi32>,
      %swap3A_314 = vector.shape_cast %swap3A_313 : vector<16xi32> to vector<16xi32>
      %swap3A_315 = vector.shape_cast %add3A_312 : vector<16xi32> to vector<16xi32>
      tpu.vector_store %arg19[%swap3A], %swap3A_315 {strides = array<i32>} : memref<128xi32, #tpu.memory_space<vmem>>, vector<16xi32>,
      %iota3A_316 = tpu.iota {dimensions = array<i32: 0>} : vector<16xi32>
      %add3A_317 = arith.constant 10016 : i32
      %add3A_318 = vector.broadcast %add3A_317 : i32 to vector<16xi32>
      %add3A_319 = arith.addi %add3A_318, %iota3A_316 : vector<16xi32>
      %swap3A_320 = arith.constant 16 : index
      %swap3A_321 = tpu.vector_load %arg19[%swap3A_320] {strides = array<i32>} : memref<128xi32, #tpu.memory_space<vmem>>, vector<16xi32>,
      %swap3A_322 = vector.shape_cast %swap3A_321 : vector<16xi32> to vector<16xi32>
      %swap3A_323 = vector.shape_cast %add3A_319 : vector<16xi32> to vector<16xi32>
      tpu.vector_store %arg19[%swap3A_320], %swap3A_323 {strides = array<i32>} : memref<128xi32, #tpu.memory_space<vmem>>, vector<16xi32>,
      %iota3A_324 = tpu.iota {dimensions = array<i32: 0>} : vector<16xi32>
      %add3A_325 = arith.constant 10032 : i32
      %add3A_326 = vector.broadcast %add3A_325 : i32 to vector<16xi32>
      %add3A_327 = arith.addi %add3A_326, %iota3A_324 : vector<16xi32>
      %swap3A_328 = arith.constant 32 : index
      %swap3A_329 = tpu.vector_load %arg19[%swap3A_328] {strides = array<i32>} : memref<128xi32, #tpu.memory_space<vmem>>, vector<16xi32>,
      %swap3A_330 = vector.shape_cast %swap3A_329 : vector<16xi32> to vector<16xi32>
      %swap3A_331 = vector.shape_cast %add3A_327 : vector<16xi32> to vector<16xi32>
      tpu.vector_store %arg19[%swap3A_328], %swap3A_331 {strides = array<i32>} : memref<128xi32, #tpu.memory_space<vmem>>, vector<16xi32>,
      %iota3A_332 = tpu.iota {dimensions = array<i32: 0>} : vector<16xi32>
      %add3A_333 = arith.constant 10048 : i32
      %add3A_334 = vector.broadcast %add3A_333 : i32 to vector<16xi32>
      %add3A_335 = arith.addi %add3A_334, %iota3A_332 : vector<16xi32>
      %swap3A_336 = arith.constant 48 : index
      %swap3A_337 = tpu.vector_load %arg19[%swap3A_336] {strides = array<i32>} : memref<128xi32, #tpu.memory_space<vmem>>, vector<16xi32>,
      %swap3A_338 = vector.shape_cast %swap3A_337 : vector<16xi32> to vector<16xi32>
      %swap3A_339 = vector.shape_cast %add3A_335 : vector<16xi32> to vector<16xi32>
      tpu.vector_store %arg19[%swap3A_336], %swap3A_339 {strides = array<i32>} : memref<128xi32, #tpu.memory_space<vmem>>, vector<16xi32>,
      %iota3A_340 = tpu.iota {dimensions = array<i32: 0>} : vector<16xi32>
      %add3A_341 = arith.constant 10064 : i32
      %add3A_342 = vector.broadcast %add3A_341 : i32 to vector<16xi32>
      %add3A_343 = arith.addi %add3A_342, %iota3A_340 : vector<16xi32>
      %swap3A_344 = arith.constant 64 : index
      %swap3A_345 = tpu.vector_load %arg19[%swap3A_344] {strides = array<i32>} : memref<128xi32, #tpu.memory_space<vmem>>, vector<16xi32>,
      %swap3A_346 = vector.shape_cast %swap3A_345 : vector<16xi32> to vector<16xi32>
      %swap3A_347 = vector.shape_cast %add3A_343 : vector<16xi32> to vector<16xi32>
      tpu.vector_store %arg19[%swap3A_344], %swap3A_347 {strides = array<i32>} : memref<128xi32, #tpu.memory_space<vmem>>, vector<16xi32>,
      %iota3A_348 = tpu.iota {dimensions = array<i32: 0>} : vector<16xi32>
      %add3A_349 = arith.constant 10080 : i32
      %add3A_350 = vector.broadcast %add3A_349 : i32 to vector<16xi32>
      %add3A_351 = arith.addi %add3A_350, %iota3A_348 : vector<16xi32>
      %swap3A_352 = arith.constant 80 : index
      %swap3A_353 = tpu.vector_load %arg19[%swap3A_352] {strides = array<i32>} : memref<128xi32, #tpu.memory_space<vmem>>, vector<16xi32>,
      %swap3A_354 = vector.shape_cast %swap3A_353 : vector<16xi32> to vector<16xi32>
      %swap3A_355 = vector.shape_cast %add3A_351 : vector<16xi32> to vector<16xi32>
      tpu.vector_store %arg19[%swap3A_352], %swap3A_355 {strides = array<i32>} : memref<128xi32, #tpu.memory_space<vmem>>, vector<16xi32>,
      %iota3A_356 = tpu.iota {dimensions = array<i32: 0>} : vector<16xi32>
      %add3A_357 = arith.constant 10096 : i32
      %add3A_358 = vector.broadcast %add3A_357 : i32 to vector<16xi32>
      %add3A_359 = arith.addi %add3A_358, %iota3A_356 : vector<16xi32>
      %swap3A_360 = arith.constant 96 : index
      %swap3A_361 = tpu.vector_load %arg19[%swap3A_360] {strides = array<i32>} : memref<128xi32, #tpu.memory_space<vmem>>, vector<16xi32>,
      %swap3A_362 = vector.shape_cast %swap3A_361 : vector<16xi32> to vector<16xi32>
      %swap3A_363 = vector.shape_cast %add3A_359 : vector<16xi32> to vector<16xi32>
      tpu.vector_store %arg19[%swap3A_360], %swap3A_363 {strides = array<i32>} : memref<128xi32, #tpu.memory_space<vmem>>, vector<16xi32>,
      %iota3A_364 = tpu.iota {dimensions = array<i32: 0>} : vector<16xi32>
      %add3A_365 = arith.constant 10112 : i32
      %add3A_366 = vector.broadcast %add3A_365 : i32 to vector<16xi32>
      %add3A_367 = arith.addi %add3A_366, %iota3A_364 : vector<16xi32>
      %swap3A_368 = arith.constant 112 : index
      %swap3A_369 = tpu.vector_load %arg19[%swap3A_368] {strides = array<i32>} : memref<128xi32, #tpu.memory_space<vmem>>, vector<16xi32>,
      %swap3A_370 = vector.shape_cast %swap3A_369 : vector<16xi32> to vector<16xi32>
      %swap3A_371 = vector.shape_cast %add3A_367 : vector<16xi32> to vector<16xi32>
      tpu.vector_store %arg19[%swap3A_368], %swap3A_371 {strides = array<i32>} : memref<128xi32, #tpu.memory_space<vmem>>, vector<16xi32>,
    } else {
    }
    "tpu.region"() ({
      %run_scoped3A = tpu.sem_alloc : memref<!tpu.dma_semaphore, #tpu.memory_space<semaphore_mem>>
      %dma_start3A_310 = arith.constant 0 : i32
      %dma_start3A_311 = arith.constant 0 : i32
      %dma_start3A_312 = tpu.memref_slice %arg10[%dma_start3A_310, %dma_start3A_311] : memref<10240x128xf32, #tpu.memory_space<vmem_shared>> -> memref<10240x128xf32, #tpu.memory_space<vmem_shared>>
      tpu.enqueue_indirect_dma source(%arg21 : memref<128x128xf32, #tpu.memory_space<vmem>>) target(%dma_start3A_312 : memref<10240x128xf32, #tpu.memory_space<vmem_shared>>) offsets(%arg19 : memref<128xi32, #tpu.memory_space<vmem>>) semaphore(%run_scoped3A : memref<!tpu.dma_semaphore, #tpu.memory_space<semaphore_mem>>) {add = true}
      %dma_wait3A_313 = arith.constant 0 : i32
      %dma_wait3A_314 = arith.constant 0 : i32
      %dma_wait3A_315 = tpu.memref_slice %arg10[%dma_wait3A_313, %dma_wait3A_314] : memref<10240x128xf32, #tpu.memory_space<vmem_shared>> -> memref<10240x128xf32, #tpu.memory_space<vmem_shared>>
      tpu.wait_indirect_dma semaphore(%run_scoped3A : memref<!tpu.dma_semaphore, #tpu.memory_space<semaphore_mem>>) src(%arg21 : memref<128x128xf32, #tpu.memory_space<vmem>>) dst(%dma_wait3A_315 : memref<10240x128xf32, #tpu.memory_space<vmem_shared>>)
      tpu.yield
    }) : () -> ()
    "tpu.region"() ({
      %run_scoped3A = tpu.sem_alloc : memref<!tpu.dma_semaphore, #tpu.memory_space<semaphore_mem>>
      %dma_start3A_310 = arith.constant 0 : i32
      %dma_start3A_311 = arith.constant 0 : i32
      %dma_start3A_312 = tpu.memref_slice %arg11[%dma_start3A_310, %dma_start3A_311] : memref<10240x16xi16, #tpu.memory_space<vmem_shared>> -> memref<10240x16xi16, #tpu.memory_space<vmem_shared>>
      tpu.enqueue_indirect_dma source(%arg12 : memref<128x16xi16, #tpu.memory_space<vmem>>) target(%dma_start3A_312 : memref<10240x16xi16, #tpu.memory_space<vmem_shared>>) offsets(%arg19 : memref<128xi32, #tpu.memory_space<vmem>>) semaphore(%run_scoped3A : memref<!tpu.dma_semaphore, #tpu.memory_space<semaphore_mem>>) {add = true}
      %dma_wait3A_313 = arith.constant 0 : i32
      %dma_wait3A_314 = arith.constant 0 : i32
      %dma_wait3A_315 = tpu.memref_slice %arg11[%dma_wait3A_313, %dma_wait3A_314] : memref<10240x16xi16, #tpu.memory_space<vmem_shared>> -> memref<10240x16xi16, #tpu.memory_space<vmem_shared>>
      tpu.wait_indirect_dma semaphore(%run_scoped3A : memref<!tpu.dma_semaphore, #tpu.memory_space<semaphore_mem>>) src(%arg12 : memref<128x16xi16, #tpu.memory_space<vmem>>) dst(%dma_wait3A_315 : memref<10240x16xi16, #tpu.memory_space<vmem_shared>>)
      tpu.yield
    }) : () -> ()
    %barrier3A_287 = arith.constant 0 : index
    tpu.barrier barrier_id(%barrier3A_287)
    %mul3A_288 = arith.constant 640 : i32
    %mul3A_289 = arith.muli %arg1, %mul3A_288 : i32
    %mul3A_290 = arith.constant 640 : i32
    %mul3A_291 = arith.muli %arg1, %mul3A_290 : i32
    %dma_start3A_292 = arith.constant 0 : i32
    %dma_start3A_293 = tpu.memref_slice %arg8[%arg0, %mul3A_291, %dma_start3A_292] : memref<2x10240x128xf32, #tpu.memory_space<hbm>> -> memref<1x640x128xf32, #tpu.memory_space<hbm>>
    %dma_start3A_294 = tpu.memref_squeeze %dma_start3A_293 : memref<1x640x128xf32, #tpu.memory_space<hbm>> -> memref<640x128xf32, #tpu.memory_space<hbm>>
    %dma_start3A_295 = arith.constant 0 : i32
    %dma_start3A_296 = tpu.memref_slice %arg10[%mul3A_289, %dma_start3A_295] : memref<10240x128xf32, #tpu.memory_space<vmem_shared>> -> memref<640x128xf32, #tpu.memory_space<vmem_shared>>
    tpu.enqueue_dma source(%dma_start3A_296 : memref<640x128xf32, #tpu.memory_space<vmem_shared>>) target(%dma_start3A_294 : memref<640x128xf32, #tpu.memory_space<hbm>>) target_semaphore(%arg33 : memref<!tpu.dma_semaphore, #tpu.memory_space<semaphore_mem>>)
    %mul3A_297 = arith.constant 640 : i32
    %mul3A_298 = arith.muli %arg1, %mul3A_297 : i32
    %mul3A_299 = arith.constant 640 : i32
    %mul3A_300 = arith.muli %arg1, %mul3A_299 : i32
    "tpu.region"() ({
      %run_scoped3A = tpu.sem_alloc : memref<!tpu.dma_semaphore, #tpu.memory_space<semaphore_mem>>
      %dma_start3A_310 = arith.constant 0 : i32
      %dma_start3A_311 = tpu.memref_slice %arg9[%arg0, %mul3A_300, %dma_start3A_310] : memref<2x10240x16xi16, #tpu.memory_space<hbm>> -> memref<1x640x16xi16, #tpu.memory_space<hbm>>
      %dma_start3A_312 = tpu.memref_squeeze %dma_start3A_311 : memref<1x640x16xi16, #tpu.memory_space<hbm>> -> memref<640x16xi16, #tpu.memory_space<hbm>>
      %dma_start3A_313 = arith.constant 0 : i32
      %dma_start3A_314 = tpu.memref_slice %arg11[%mul3A_298, %dma_start3A_313] : memref<10240x16xi16, #tpu.memory_space<vmem_shared>> -> memref<640x16xi16, #tpu.memory_space<vmem_shared>>
      tpu.enqueue_dma source(%dma_start3A_314 : memref<640x16xi16, #tpu.memory_space<vmem_shared>>) target(%dma_start3A_312 : memref<640x16xi16, #tpu.memory_space<hbm>>) target_semaphore(%run_scoped3A : memref<!tpu.dma_semaphore, #tpu.memory_space<semaphore_mem>>)
      %dma_wait3A_315 = arith.constant 0 : i32
      %dma_wait3A_316 = tpu.memref_slice %arg9[%arg0, %mul3A_300, %dma_wait3A_315] : memref<2x10240x16xi16, #tpu.memory_space<hbm>> -> memref<1x640x16xi16, #tpu.memory_space<hbm>>
      %dma_wait3A_317 = tpu.memref_squeeze %dma_wait3A_316 : memref<1x640x16xi16, #tpu.memory_space<hbm>> -> memref<640x16xi16, #tpu.memory_space<hbm>>
      %dma_wait3A_318 = arith.constant 0 : i32
      %dma_wait3A_319 = tpu.memref_slice %arg11[%mul3A_298, %dma_wait3A_318] : memref<10240x16xi16, #tpu.memory_space<vmem_shared>> -> memref<640x16xi16, #tpu.memory_space<vmem_shared>>
      tpu.wait_dma2 semaphore(%run_scoped3A : memref<!tpu.dma_semaphore, #tpu.memory_space<semaphore_mem>>) src(%dma_wait3A_319 : memref<640x16xi16, #tpu.memory_space<vmem_shared>>) dst(%dma_wait3A_317 : memref<640x16xi16, #tpu.memory_space<hbm>>)
      tpu.yield
    }) : () -> ()
    %mul3A_301 = arith.constant 640 : i32
    %mul3A_302 = arith.muli %arg1, %mul3A_301 : i32
    %mul3A_303 = arith.constant 640 : i32
    %mul3A_304 = arith.muli %arg1, %mul3A_303 : i32
    %dma_wait3A_305 = arith.constant 0 : i32
    %dma_wait3A_306 = tpu.memref_slice %arg8[%arg0, %mul3A_304, %dma_wait3A_305] : memref<2x10240x128xf32, #tpu.memory_space<hbm>> -> memref<1x640x128xf32, #tpu.memory_space<hbm>>
    %dma_wait3A_307 = tpu.memref_squeeze %dma_wait3A_306 : memref<1x640x128xf32, #tpu.memory_space<hbm>> -> memref<640x128xf32, #tpu.memory_space<hbm>>
    %dma_wait3A_308 = arith.constant 0 : i32
    %dma_wait3A_309 = tpu.memref_slice %arg10[%mul3A_302, %dma_wait3A_308] : memref<10240x128xf32, #tpu.memory_space<vmem_shared>> -> memref<640x128xf32, #tpu.memory_space<vmem_shared>>
    tpu.wait_dma2 semaphore(%arg33 : memref<!tpu.dma_semaphore, #tpu.memory_space<semaphore_mem>>) src(%dma_wait3A_309 : memref<640x128xf32, #tpu.memory_space<vmem_shared>>) dst(%dma_wait3A_307 : memref<640x128xf32, #tpu.memory_space<hbm>>)
    return
  }
}

module attributes {stable_mosaic.version = 14 : i64} {
  func.func @body(%arg0: i32, %arg1: memref<1x2000x128xf32, #tpu.memory_space<vmem>>, %arg2: memref<1x2000x128xf32, #tpu.memory_space<vmem>>, %arg3: memref<1x2000x16xi16, #tpu.memory_space<vmem>>, %arg4: memref<1x2000x16xi16, #tpu.memory_space<vmem>>, %arg5: memref<2000x128xf32, #tpu.memory_space<vmem>>, %arg6: memref<128x128xf32, #tpu.memory_space<vmem>>, %arg7: memref<128x128xf32, #tpu.memory_space<vmem>>, %arg8: memref<1x128xf32, #tpu.memory_space<vmem>>, %arg9: memref<2000x128xf32, #tpu.memory_space<vmem>>) attributes {dimension_semantics = [#tpu.dimension_semantics<arbitrary>], iteration_bounds = array<i64: 5>, scalar_prefetch = 0 : i64, scratch_operands = 0 : i64, tpu.core_type = #tpu.core_type<tc>, window_params = [{transform_indices = @transform_0, window_bounds = array<i64: 1, 2000, 128>}, {transform_indices = @transform_1, window_bounds = array<i64: 1, 2000, 128>}, {transform_indices = @transform_2, window_bounds = array<i64: 1, 2000, 16>}, {transform_indices = @transform_3, window_bounds = array<i64: 1, 2000, 16>}, {transform_indices = @transform_4, window_bounds = array<i64: 2000, 128>}, {pipeline_mode = #tpu.pipeline_mode<synchronous>, transform_indices = @transform_5, window_bounds = array<i64: 128, 128>}, {pipeline_mode = #tpu.pipeline_mode<synchronous>, transform_indices = @transform_6, window_bounds = array<i64: 128, 128>}, {pipeline_mode = #tpu.pipeline_mode<synchronous>, transform_indices = @transform_7, window_bounds = array<i64: 1, 128>}, {transform_indices = @transform_8, window_bounds = array<i64: 2000, 128>}]} {
    %get3A = arith.constant 0 : index
    %get3A_0 = arith.constant 0 : index
    %get3A_1 = arith.constant 0 : index
    %get3A_2 = vector.load %arg1[%get3A, %get3A_0, %get3A_1] : memref<1x2000x128xf32, #tpu.memory_space<vmem>>, vector<1x2000x128xf32>
    %get3A_3 = vector.shape_cast %get3A_2 : vector<1x2000x128xf32> to vector<2000x128xf32>
    %get3A_4 = arith.constant 0 : index
    %get3A_5 = arith.constant 0 : index
    %get3A_6 = arith.constant 0 : index
    %get3A_7 = vector.load %arg2[%get3A_4, %get3A_5, %get3A_6] : memref<1x2000x128xf32, #tpu.memory_space<vmem>>, vector<1x2000x128xf32>
    %get3A_8 = vector.shape_cast %get3A_7 : vector<1x2000x128xf32> to vector<2000x128xf32>
    %add3A = arith.addf %get3A_3, %get3A_8 : vector<2000x128xf32>
    %get3A_9 = arith.constant 0 : index
    %get3A_10 = arith.constant 0 : index
    %get3A_11 = arith.constant 0 : index
    %get3A_12 = vector.load %arg3[%get3A_9, %get3A_10, %get3A_11] : memref<1x2000x16xi16, #tpu.memory_space<vmem>>, vector<1x2000x16xi16>
    %get3A_13 = vector.shape_cast %get3A_12 : vector<1x2000x16xi16> to vector<2000x16xi16>
    %slice3A = vector.extract_strided_slice %get3A_13 {offsets = [0, 0], sizes = [2000, 1], strides = [1, 1]} : vector<2000x16xi16> to vector<2000x1xi16>
    %get3A_14 = arith.constant 0 : index
    %get3A_15 = arith.constant 0 : index
    %get3A_16 = arith.constant 0 : index
    %get3A_17 = vector.load %arg4[%get3A_14, %get3A_15, %get3A_16] : memref<1x2000x16xi16, #tpu.memory_space<vmem>>, vector<1x2000x16xi16>
    %get3A_18 = vector.shape_cast %get3A_17 : vector<1x2000x16xi16> to vector<2000x16xi16>
    %slice3A_19 = vector.extract_strided_slice %get3A_18 {offsets = [0, 0], sizes = [2000, 1], strides = [1, 1]} : vector<2000x16xi16> to vector<2000x1xi16>
    %add3A_20 = arith.addi %slice3A, %slice3A_19 : vector<2000x1xi16>
    %convert_element_type3A = arith.sitofp %add3A_20 : vector<2000x1xi16> to vector<2000x1xf32>
    %max3A = arith.constant 1.000000e+00 : f32
    %max3A_21 = vector.broadcast %max3A : f32 to vector<2000x1xf32>
    %max3A_22 = arith.maximumf %convert_element_type3A, %max3A_21 : vector<2000x1xf32>
    %div3A = vector.broadcast %max3A_22 : vector<2000x1xf32> to vector<2000x128xf32>
    %div3A_23 = arith.divf %add3A, %div3A : vector<2000x128xf32>
    %get3A_24 = arith.constant 0 : index
    %get3A_25 = arith.constant 0 : index
    %get3A_26 = vector.load %arg6[%get3A_24, %get3A_25] : memref<128x128xf32, #tpu.memory_space<vmem>>, vector<128x128xf32>
    %dot_general3A = arith.constant dense<0.000000e+00> : vector<2000x128xf32>
    %dot_general3A_27 = tpu.matmul %div3A_23, %get3A_26, %dot_general3A {dimension_numbers = #tpu.dot_dimension_numbers<[1], [0], [0], [1], [0, 0, 1, 1], [], []>, transpose_lhs_hint = false} : vector<2000x128xf32>, vector<128x128xf32>, vector<2000x128xf32> -> vector<2000x128xf32>
    %get3A_28 = arith.constant 0 : index
    %get3A_29 = arith.constant 0 : index
    %get3A_30 = vector.load %arg8[%get3A_28, %get3A_29] : memref<1x128xf32, #tpu.memory_space<vmem>>, vector<1x128xf32>
    %add3A_31 = vector.broadcast %get3A_30 : vector<1x128xf32> to vector<2000x128xf32>
    %add3A_32 = arith.addf %dot_general3A_27, %add3A_31 : vector<2000x128xf32>
    %get3A_33 = arith.constant 0 : index
    %get3A_34 = arith.constant 0 : index
    %get3A_35 = vector.load %arg5[%get3A_33, %get3A_34] : memref<2000x128xf32, #tpu.memory_space<vmem>>, vector<2000x128xf32>
    %get3A_36 = arith.constant 0 : index
    %get3A_37 = arith.constant 0 : index
    %get3A_38 = vector.load %arg7[%get3A_36, %get3A_37] : memref<128x128xf32, #tpu.memory_space<vmem>>, vector<128x128xf32>
    %dot_general3A_39 = arith.constant dense<0.000000e+00> : vector<2000x128xf32>
    %dot_general3A_40 = tpu.matmul %get3A_35, %get3A_38, %dot_general3A_39 {dimension_numbers = #tpu.dot_dimension_numbers<[1], [0], [0], [1], [0, 0, 1, 1], [], []>, transpose_lhs_hint = false} : vector<2000x128xf32>, vector<128x128xf32>, vector<2000x128xf32> -> vector<2000x128xf32>
    %add3A_41 = arith.addf %add3A_32, %dot_general3A_40 : vector<2000x128xf32>
    %max3A_42 = arith.constant 0.000000e+00 : f32
    %max3A_43 = vector.broadcast %max3A_42 : f32 to vector<2000x128xf32>
    %max3A_44 = arith.maximumf %add3A_41, %max3A_43 : vector<2000x128xf32>
    %mul3A = arith.mulf %max3A_44, %max3A_44 : vector<2000x128xf32>
    %reduce_sum3A = arith.constant dense<0.000000e+00> : vector<2000xf32>
    %reduce_sum3A_45 = vector.multi_reduction <add>, %mul3A, %reduce_sum3A [1] : vector<2000x128xf32> to vector<2000xf32>
    %broadcast_in_dim3A = vector.shape_cast %reduce_sum3A_45 : vector<2000xf32> to vector<2000x1xf32>
    %sqrt3A = math.sqrt %broadcast_in_dim3A : vector<2000x1xf32>
    %add3A_46 = arith.constant 9.99999971E-10 : f32
    %add3A_47 = vector.broadcast %add3A_46 : f32 to vector<2000x1xf32>
    %add3A_48 = arith.addf %sqrt3A, %add3A_47 : vector<2000x1xf32>
    %div3A_49 = vector.broadcast %add3A_48 : vector<2000x1xf32> to vector<2000x128xf32>
    %div3A_50 = arith.divf %max3A_44, %div3A_49 : vector<2000x128xf32>
    %swap3A = arith.constant 0 : index
    %swap3A_51 = arith.constant 0 : index
    %swap3A_52 = vector.load %arg9[%swap3A, %swap3A_51] : memref<2000x128xf32, #tpu.memory_space<vmem>>, vector<2000x128xf32>
    tpu.vector_store %arg9[%swap3A, %swap3A_51], %div3A_50 {strides = array<i32>} : memref<2000x128xf32, #tpu.memory_space<vmem>>, vector<2000x128xf32>,
    return
  }
  func.func @transform_0(%arg0: i32) -> (i32, i32, i32) {
    %c0_i32 = arith.constant 0 : i32
    %c0_i32_0 = arith.constant 0 : i32
    %c0_i32_1 = arith.constant 0 : i32
    return %c0_i32, %arg0, %c0_i32_0 : i32, i32, i32
  }
  func.func @transform_1(%arg0: i32) -> (i32, i32, i32) {
    %c1_i32 = arith.constant 1 : i32
    %c0_i32 = arith.constant 0 : i32
    %c0_i32_0 = arith.constant 0 : i32
    return %c1_i32, %arg0, %c0_i32 : i32, i32, i32
  }
  func.func @transform_2(%arg0: i32) -> (i32, i32, i32) {
    %c0_i32 = arith.constant 0 : i32
    %c0_i32_0 = arith.constant 0 : i32
    %c0_i32_1 = arith.constant 0 : i32
    return %c0_i32, %arg0, %c0_i32_0 : i32, i32, i32
  }
  func.func @transform_3(%arg0: i32) -> (i32, i32, i32) {
    %c1_i32 = arith.constant 1 : i32
    %c0_i32 = arith.constant 0 : i32
    %c0_i32_0 = arith.constant 0 : i32
    return %c1_i32, %arg0, %c0_i32 : i32, i32, i32
  }
  func.func @transform_4(%arg0: i32) -> (i32, i32) {
    %c0_i32 = arith.constant 0 : i32
    %c0_i32_0 = arith.constant 0 : i32
    return %arg0, %c0_i32 : i32, i32
  }
  func.func @transform_5(%arg0: i32) -> (i32, i32) {
    %c0_i32 = arith.constant 0 : i32
    %c0_i32_0 = arith.constant 0 : i32
    %c0_i32_1 = arith.constant 0 : i32
    return %c0_i32, %c0_i32_0 : i32, i32
  }
  func.func @transform_6(%arg0: i32) -> (i32, i32) {
    %c0_i32 = arith.constant 0 : i32
    %c0_i32_0 = arith.constant 0 : i32
    %c0_i32_1 = arith.constant 0 : i32
    return %c0_i32, %c0_i32_0 : i32, i32
  }
  func.func @transform_7(%arg0: i32) -> (i32, i32) {
    %c0_i32 = arith.constant 0 : i32
    %c0_i32_0 = arith.constant 0 : i32
    %c0_i32_1 = arith.constant 0 : i32
    return %c0_i32, %c0_i32_0 : i32, i32
  }
  func.func @transform_8(%arg0: i32) -> (i32, i32) {
    %c0_i32 = arith.constant 0 : i32
    %c0_i32_0 = arith.constant 0 : i32
    return %arg0, %c0_i32 : i32, i32
  }
}

</mosaic_0001>

<sc_bundles>
// kernel: kernel.4.cloned.1.call-start
scs
__scs_entry_jumppad:
0x0: {  	(pc) =	sbr.rel $0x88, $3  }
0x1: {  	(tag) =	ssettag $0x0;
	lr =	simm.s32 $0x1  }
0x2: {  	[smem:$0x3F9C] =	sst lr;
	_ =	strace $0xD0000000  }
0x3: {  	_ = 	snop  }
0x4: {  	_ = 	snop  }
0x5: {  	_ = 	snop  }
0x6: {  	_ = 	snop  }
0x7: {  	_ = 	snop  }
__scs_overlays_trampoline_lowered:
0x8: {  	[smem:$0x3FAB] =	sst s0  }
0x9: {  	[smem:$0x3FAC] =	sst s1  }
0xa: {  	[smem:$0x3FAD] =	sst s2  }
0xb: {  	[smem:$0x3FAE] =	sst s3  }
0xc: {  	[smem:$0x3FAF] =	sst s4  }
0xd: {  	[smem:$0x3FB0] =	sst s5  }
0xe: {  	[smem:$0x3FB1] =	sst s6  }
0xf: {  	[smem:$0x3FB2] =	sst s7  }
0x10: {  	[smem:$0x3FB3] =	sst s8  }
0x11: {  	[smem:$0x3FB4] =	sst s9;
	s0 =	simm.s32 @!p0 $0x0  }
0x12: {  	s1 =	sld [smem:$0x3F9A];
	s0 =	simm.s32 @p0 $0x1  }
0x13: {  	[smem:$0x3FB5] =	sst s0;
	s0 =	simm.s32 @!p1 $0x0  }
0x14: {  	s2 =	sld [smem:$0x3F99];
	s0 =	simm.s32 @p1 $0x1  }
0x15: {  	[smem:$0x3FB6] =	sst s0;
	s0 =	simm.s32 @!p2 $0x0  }
0x16: {  	s3 =	sld [smem:$0x3FDB];
	s0 =	simm.s32 @p2 $0x1  }
0x17: {  	s4 =	simm.s32 $0x1BF5;
	[smem:$0x3FB8] =	sst s0  }
0x18: {  	s0 =	sld [smem:$0x3F9B];
	_ =	swait.ge [sflag:s4], $0x0  }
0x19: {  	s7 =	sld [smem:$0x3F9C]  }
0x1a: {  	s8 =	sadd.s32 $0xFFFFE003, lr  }
0x1b: {  	s9 =	sadd.s32 $0xFFFFFEF7, lr;
	s5 =	simm.s32 $0xFFFFFFFF;
	p2 =	slt.u32 s8, $0xFFFFF086  }
0x1c: {  	p1 =	slt.u32 s9, $0xF7A;
	s5 =	simm.s32 @!p2 $0x0  }
0x1d: {  	s5 =	simm.s32 @p1 $0x1;
	p0 =	seq.s32 s7, s2  }
0x1e: {  	s7 =	smul.u32 @!p0 $0xF7A, s2;
	p2 =	seq.s32 @!p0 s5, $0x0  }
0x1f: {  	s9 =	smul.u32 $0xF7A, s1;
	s8 =	simm.s32 @!p0 $0x1BF5;
	p2 =	por !p2, p0  }
0x20: {  	[sflag:s8] =	ssyncset.s32 @!p0 $0xFFFFF086;
	s6 =	sadd.s32 @!p0 s3, s7;
	s7 =	simm.s32 @!p0 $0x108  }
0x21: {  	s3 =	sadd.s32 s3, s9;
	s6 =	sadd.s32 @!p0 $0x88, s6;
	s7 =	simm.s32 @p2 $0x1082  }
0x22: {  	[simem:s7], [sflag:s8] =	dma.local @!p0 [hbm:s6], $0xF7A  }
0x23: {  	s9 =	sor.u32 $0xD0000000, s2;
	s6 =	simm.s32 $0x108;
	_ =	swait.ge @!p0 [sflag:s8], $0x0  }
0x24: {  	s3 =	sadd.s32 $0x88, s3;
	s6 =	simm.s32 @!p1 $0x1082;
	[sflag:s4] =	ssyncset.s32 $0xFFFFF086  }
0x25: {  	[simem:s6], [sflag:s4] =	dma.local [hbm:s3], $0xF7A  }
0x26: {  	[smem:$0x3F9C] =	sst s1;
	(tag) =	ssettag s2;
	_ =	strace s9  }
0x27: {  	s1 =	sld [smem:$0x3FAC]  }
0x28: {  	s2 =	sld [smem:$0x3FAD]  }
0x29: {  	s4 =	sld [smem:$0x3FAF]  }
0x2a: {  	p0 =	seq.s32 s5, $0x0;
	s5 =	sld [smem:$0x3FB0]  }
0x2b: {  	s6 =	sld [smem:$0x3FB1]  }
0x2c: {  	s7 =	sld [smem:$0x3FB2]  }
0x2d: {  	s3 =	simm.s32 $0x108;
	s8 =	sld [smem:$0x3FB3]  }
0x2e: {  	s3 =	simm.s32 @!p0 $0x1082;
	s9 =	sld [smem:$0x3FB4]  }
0x2f: {  	lr =	sadd.s32 s0, s3;
	s0 =	sld [smem:$0x3FAB]  }
0x30: {  	s3 =	sld [smem:$0x3FAE]  }
0x31: {  	[smem:$0x3FB7] =	sst s10  }
0x32: {  	s10 =	sld [smem:$0x3FB5];
	_ =	sdelay $0x3  }
0x33: {  	p0 =	seq.s32 s10, $0x1;
	s10 =	sld [smem:$0x3FB7];
	_ =	sdelay $0x3  }
0x34: {  	[smem:$0x3FB7] =	sst s10  }
0x35: {  	s10 =	sld [smem:$0x3FB6];
	_ =	sdelay $0x3  }
0x36: {  	p1 =	seq.s32 s10, $0x1;
	s10 =	sld [smem:$0x3FB7];
	_ =	sdelay $0x3  }
0x37: {  	[smem:$0x3FB7] =	sst s10  }
0x38: {  	s10 =	sld [smem:$0x3FB8]  }
0x39: {  	_ = 	snop;
	(pc) =	sbr.ind lr, $3  }
0x3a: {  	_ = 	snop  }
0x3b: {  	_ = 	snop  }
0x3c: {  	p2 =	seq.s32 s10, $0x1;
	s10 =	sld [smem:$0x3FB7]  }
0x3d: {  	_ =	shalt  }
0x3e: {  	_ =	shalt  }
0x3f: {  	_ =	shalt  }
0x40: {  	_ =	shalt  }
0x41: {  	_ =	shalt  }
0x42: {  	_ =	shalt  }
0x43: {  	_ =	shalt  }
0x44: {  	_ =	shalt  }
0x45: {  	_ =	shalt  }
0x46: {  	_ =	shalt  }
0x47: {  	_ =	shalt  }
0x48: {  	_ =	shalt  }
0x49: {  	_ =	shalt  }
0x4a: {  	_ =	shalt  }
0x4b: {  	_ =	shalt  }
0x4c: {  	_ =	shalt  }
0x4d: {  	_ =	shalt  }
0x4e: {  	_ =	shalt  }
0x4f: {  	_ =	shalt  }
0x50: {  	_ =	shalt  }
0x51: {  	_ =	shalt  }
0x52: {  	_ =	shalt  }
0x53: {  	_ =	shalt  }
0x54: {  	_ =	shalt  }
0x55: {  	_ =	shalt  }
0x56: {  	_ =	shalt  }
0x57: {  	_ =	shalt  }
0x58: {  	_ =	shalt  }
0x59: {  	_ =	shalt  }
0x5a: {  	_ =	shalt  }
0x5b: {  	_ =	shalt  }
0x5c: {  	_ =	shalt  }
0x5d: {  	_ =	shalt  }
0x5e: {  	_ =	shalt  }
0x5f: {  	_ =	shalt  }
0x60: {  	_ =	shalt  }
0x61: {  	_ =	shalt  }
0x62: {  	_ =	shalt  }
0x63: {  	_ =	shalt  }
0x64: {  	_ =	shalt  }
0x65: {  	_ =	shalt  }
0x66: {  	_ =	shalt  }
0x67: {  	_ =	shalt  }
0x68: {  	_ =	shalt  }
0x69: {  	_ =	shalt  }
0x6a: {  	_ =	shalt  }
0x6b: {  	_ =	shalt  }
0x6c: {  	_ =	shalt  }
0x6d: {  	_ =	shalt  }
0x6e: {  	_ =	shalt  }
0x6f: {  	_ =	shalt  }
0x70: {  	_ =	shalt  }
0x71: {  	_ =	shalt  }
0x72: {  	_ =	shalt  }
0x73: {  	_ =	shalt  }
0x74: {  	_ =	shalt  }
0x75: {  	_ =	shalt  }
0x76: {  	_ =	shalt  }
0x77: {  	_ =	shalt  }
0x78: {  	_ =	shalt  }
0x79: {  	_ =	shalt  }
0x7a: {  	_ =	shalt  }
0x7b: {  	_ =	shalt  }
0x7c: {  	_ =	shalt  }
0x7d: {  	_ =	shalt  }
0x7e: {  	_ =	shalt  }
0x7f: {  	_ =	shalt  }
0x80: {  	_ =	shalt  }
0x81: {  	_ =	shalt  }
0x82: {  	_ =	shalt  }
0x83: {  	_ =	shalt  }
0x84: {  	_ =	shalt  }
0x85: {  	_ =	shalt  }
0x86: {  	_ =	shalt  }
0x87: {  	_ =	shalt  }
.Lfunc_end0:
.L_simem_size_0:
called_computation_lowered:
.L_overlay_start_0:
0x88: {  	s2 =	sld [smem:$0x3FD9]  }
0x89: {  	s3 =	sld [smem:$0x3FFE];
	_ =	sdelay $0x1  }
0x8a: {  	s1 =	srdreg.scid  }
0x8b: {  	s0 =	sand.u32 $0x1, s1  }
0x8c: {  	s17 =	sshll.u32 s0, $0xA;
	s2 =	sadd.s32 s3, s2  }
0x8d: {  	s2 =	sadd.s32 s2, s17  }
0x8e: {  	[smem:$0x3FC3] =	sst s2  }
0x8f: {  	_ = 	snop  }
0x90: {  	s2 =	sld [smem:$0x3FC9]  }
0x91: {  	s18 =	sld [smem:$0x3FD0];
	(tm) =	ssettm $0x1  }
0x92: {  	s4 =	sld [smem:$0x3FFB];
	_ =	sdelay $0x3  }
0x93: {  	_ =	strace s4  }
0x94: {  	s4 =	sld [smem:$0x3FFC];
	_ =	sdelay $0x3  }
0x95: {  	_ =	strace s4  }
0x96: {  	s4 =	sld [smem:$0x3FFD];
	_ =	sdelay $0x3  }
0x97: {  	_ =	strace s4  }
0x98: {  	_ =	strace $0x8FFFFFFF  }
0x99: {  	s19 =	sld [smem:$0x3FDB];
	_ =	sdelay $0x1  }
0x9a: {  	s5 =	simm.s32 $_scs_section_size  }
0x9b: {  	s6 =	simm.s32 $_size__tile_overlayer_lowered;
	s7 =	simm.s32 $_tile_overlayer_lowered  }
0x9c: {  	s22 =	simm.s32 $0x1BFF;
	s21 =	sshll.u32 s7, $0x1;
	s4 =	sadd.s32 s5, s19  }
0x9d: {  	s8 =	simm.s32 $0x0;
	s20 =	sshll.u32 s6, $0x1;
	s6 =	sadd.s32 s21, s4  }
0x9e: {  	[timem:s8], [sflag:s22] =	dma.local [hbm:s6], s20  }
0x9f: {  	_ =	swait.ge [sflag:s22], s20  }
0xa0: {  	s5 =	ssub.s32 $0x0, s20;
	[sflag:s22] =	ssyncset.done $0x0  }
0xa1: {  	[sflag:s22] =	ssyncadd.s32 s5;
	_ =	sdelay $0x1  }
0xa2: {  	s23 =	simm.s32 $0x1B8B  }
0xa3: {  	_ =	swait.ge [sflag:s23], $0x1  }
0xa4: {  	[sflag:s23] =	ssyncset.done $0x0  }
0xa5: {  	s25 =	simm.s32 $0x1B8E;
	s24 =	sld [smem:$0x3FFE];
	[sflag:s23] =	ssyncadd.s32 $0xFFFFFFFF  }
0xa6: {  	s26 =	simm.s32 $execute0_lowered;
	[smem:$0x3FD2] =	sst s25  }
0xa7: {  	s6 =	sshll.u32 s26, $0x1;
	_ =	strace $0x80000046;
	[dreg:$0x1] =	wrdreg $0xFFFFFFFF  }
0xa8: {  	s28 =	simm.s32 $_size_execute0_lowered;
	s4 =	sadd.s32 s4, s6;
	[dreg:$0x0] =	wrdreg $0x0  }
0xa9: {  	s6 =	sshll.u32 s28, $0x1;
	[dreg:$0x2] =	wrdreg s4  }
0xaa: {  	[dreg:$0x3] =	wrdreg s6  }
0xab: {  	[dreg:$0x4] =	wrdreg $0xC0  }
0xac: {  	_ =	task [dreg:s8], $0x5FFFF  }
0xad: {  	[dreg:$0x1] =	wrdreg $0xFFFFFFFF  }
0xae: {  	[dreg:$0x0] =	wrdreg $0x60  }
0xaf: {  	[dreg:$0x2] =	wrdreg s2  }
0xb0: {  	[dreg:$0x3] =	wrdreg s24  }
0xb1: {  	[dreg:$0x4] =	wrdreg s18  }
0xb2: {  	[dreg:$0x5] =	wrdreg $0x0  }
0xb3: {  	[dreg:$0x6] =	wrdreg $0x140000  }
0xb4: {  	[dreg:$0x7] =	wrdreg $0x9  }
0xb5: {  	_ =	task.clear_ibuf [dreg:s8], $0x8FFFF;
	_ =	strace $0x90000046  }
0xb6: {  	s29 =	simm.s32 $0x9;
	_ =	strace $0x80000048  }
0xb7: {  	_ =	swait.ge [sflag:s29], $0x1  }
0xb8: {  	[sflag:s29] =	ssyncadd.s32 $0xFFFFFFFF  }
0xb9: {  	_ =	strace $0x90000048  }
0xba: {  	_ =	sfence  }
0xbb: {  	s30 =	sld [smem:$0x0];
	_ =	sdelay $0x2  }
0xbc: {  	s31 =	sshll.u32 s1, $0xD;
	s1 =	sshrl.u32 s1, $0x2  }
0xbd: {  	s3 =	sand.u32 $0x4000, s31;
	s1 =	sadd.s32 s1, s30  }
0xbe: {  	s0 =	sor.u32 s3, s0;
	s1 =	sshll.u32 s1, $0x11  }
0xbf: {  	s0 =	sor.u32 s1, s0  }
0xc0: {  	s0 =	sadd.s32 $0x8F2B, s0  }
0xc1: {  	[sflag:s0] =	ssyncadd.remote.s32 $0x1  }
0xc2: {  	_ =	sfence.sel $0xFFFF  }
0xc3: {  	[dreg:$0x0] =	wrdreg $0xFFFFFFFF;
	(pc) =	sbr.abs _section_cstart, $3  }
0xc4: {  	[dreg:$0x1] =	wrdreg $0xFFFFFFFF  }
0xc5: {  	_ =	task.clear_ibuf [dreg:s8], $0x2FFFF;
	_ =	strace $0x9FFFFFFF  }
0xc6: {  	(tm) =	ssettm $0x7FFFFFFF  }
0xc7: {  	_ =	shalt  }
tec
execute0_lowered:
.L_overlay_start_1:
0x0: {  	(tag) =	ssettag $0x1  }
0x1: {  	s1 =	rddreg [dreg:$0x0]  }
0x2: {  	s0 =	rddreg [dreg:$0x1]  }
0x3: {  	s4 =	rddreg [dreg:$0x2]  }
0x4: {  	s2 =	rddreg [dreg:$0x3]  }
0x5: {  	s3 =	rddreg [dreg:$0x4];
	s5 =	simm.s32 $0x0;
	s6 =	srdreg.scid  }
0x6: {  	s17 =	stileid.u32;
	[smem:$0x7FF] =	sst s5;
	s6 =	sand.u32 $0x1, s6  }
0x7: {  	s7 =	sadd.s32 $0x1600, s0;
	s9 =	sshll.u32 s17, $0x1;
	s22 =	sshll.u32 s17, $0x5  }
0x8: {  	s29 =	smul.u32 $0x14000, s17;
	p0 =	slt.u32 s17, $0x2;
	_ =	strace $0x80000047  }
0x9: {  	s8 =	ssub.s32 $0x2, s6;
	s10 =	smul.u32 $0x140000, s6;
	s9 =	sor.u32 s6, s9  }
0xa: {  	s12 =	smul.u32 $0x28000, s6;
	s15 =	sadd.s32 s22, s4;
	s6 =	sshll.u32 s6, $0x4  }
0xb: {  	s11 =	sshrl.u32 s8, $0x1;
	s31 =	sshll.u32 s9, $0x4;
	s15 =	sadd.s32 s6, s15  }
0xc: {  	s9 =	smin.u32 s9, $0x3;
	s8 =	ssub.s32 s8, s11;
	s13 =	sadd.s32 s7, s31  }
0xd: {  	s18 =	sadd.s32 s4, s31;
	s19 =	sor.u32 $0x200, s31;
	[dreg:$0x6] =	wrdreg s15  }
0xe: {  	s20 =	sor.u32 $0x400, s31;
	s23 =	sor.u32 $0x600, s31;
	[dreg:$0x8] =	wrdreg s13  }
0xf: {  	s24 =	sor.u32 $0x9800, s31;
	[dreg:$0x9] =	wrdreg s18;
	s14 =	sadd.s32 s7, s19  }
0x10: {  	s11 =	sor.u32 $0x9A00, s31;
	s13 =	sadd.s32 s4, s19;
	[dreg:$0xa] =	wrdreg s14  }
0x11: {  	s9 =	sshll.u32 s9, $0x4;
	s21 =	sadd.s32 s7, s20;
	[dreg:$0xb] =	wrdreg s13  }
0x12: {  	s31 =	smul.u32 $0x2800, s17;
	s16 =	sadd.s32 s7, s23;
	[dreg:$0xc] =	wrdreg s21  }
0x13: {  	s25 =	sadd.s32 s7, s24;
	s26 =	sadd.s32 s4, s24;
	[dreg:$0xe] =	wrdreg s16  }
0x14: {  	s30 =	sadd.s32 s7, s11;
	s11 =	sadd.s32 s4, s11;
	[dreg:$0x10] =	wrdreg s25  }
0x15: {  	s9 =	sor.u32 $0x9C00, s9;
	s18 =	sadd.s32 s29, s10;
	[dreg:$0x11] =	wrdreg s26  }
0x16: {  	s10 =	simm.s32 $0x15B80;
	s13 =	sadd.s32 s4, s20;
	[dreg:$0x12] =	wrdreg s30  }
0x17: {  	s14 =	sadd.s32 s4, s23;
	[dreg:$0x13] =	wrdreg s11;
	s4 =	sadd.s32 s4, s9  }
0x18: {  	s15 =	sadd.s32 s7, s9;
	s16 =	sadd.s32 s22, s7;
	s19 =	sadd.s32 s31, s12  }
0x19: {  	s20 =	sshrl.u32 s18, $0x3;
	s22 =	sadd.s32 $0xB400, s0;
	[dreg:$0xd] =	wrdreg s13  }
0x1a: {  	s23 =	sadd.s32 $0x1200, s0;
	s24 =	sshrl.u32 s31, $0x1;
	[dreg:$0xf] =	wrdreg s14  }
0x1b: {  	s25 =	sadd.s32 s29, s2;
	s30 =	smax.u32 s8, $0x1;
	[dreg:$0x14] =	wrdreg s4  }
0x1c: {  	s31 =	sshll.u32 s17, $0x6;
	s8 =	simm.s32 $0x15B00;
	[dreg:$0x15] =	wrdreg s15  }
0x1d: {  	s9 =	simm.s32 $0x15980;
	s11 =	simm.s32 $0xC;
	[dreg:$0x16] =	wrdreg s22  }
0x1e: {  	s12 =	simm.s32 $0x15400;
	s17 =	simm.s32 $0x19C00;
	[dreg:$0x17] =	wrdreg s23  }
0x1f: {  	s18 =	simm.s32 $0x5;
	s7 =	simm.s32 $0x0;
	[dreg:$0x19] =	wrdreg s25  }
0x20: {  	s4 =	sadd.s32 s6, s16;
	s21 =	sshrl.u32 s19, $0x4;
	[dreg:$0x1d] =	wrdreg s30  }
0x21: {  	[dreg:$0x1e] =	wrdreg s31;
	s28 =	sor.u32 $0x1C0C, s31;
	s13 =	simm.s32 $0x1  }
0x22: {  	s14 =	simm.s32 $0x80;
	s15 =	simm.s32 $0x15C00;
	s16 =	simm.s32 $0x2  }
0x23: {  	s19 =	simm.s32 $0x9;
	s22 =	simm.s32 $0xA;
	s23 =	simm.s32 $0x4  }
0x24: {  	s25 =	simm.s32 $0x8;
	[dreg:$0x7] =	wrdreg s4;
	s4 =	sadd.s32 s20, s0  }
0x25: {  	s6 =	sadd.s32 s21, s0;
	s0 =	sadd.s32 $0x1000, s0;
	[dreg:$0x1f] =	wrdreg s28  }
0x26: {  	s20 =	simm.s32 $0x3;
	[dreg:$0x18] =	wrdreg s0;
	s0 =	sadd.s32 s24, s3  }
0x27: {  	s21 =	simm.s32 $0x6;
	s26 =	sadd.s32 $0x12C00, s4;
	[dreg:$0x1a] =	wrdreg s0  }
0x28: {  	s29 =	sadd.s32 $0xDC00, s6;
	s6 =	simm.s32 $0x15A80;
	[dreg:$0x1b] =	wrdreg s26  }
0x29: {  	s24 =	simm.s32 $0x7;
	[dreg:$0x1c] =	wrdreg s29;
	s0 =	simm.s32 $0x15A00  }
.LBB2_1:
0x2a: {  	[smem:$0x7FB] =	sst s7  }
0x2b: {  	s26 =	rddreg [dreg:$0x8];
	s31 =	simm.s32 $0x15800  }
0x2c: {  	[tilespmem:s31], [sflag:$0x1] =	stream.linear.gather [hbm4b:s26+s5], $0x80, $0x38;
	[tilespmem:$0x1DC00] =	vst v63  }
0x2d: {  	s7 =	rddreg [dreg:$0x9]  }
0x2e: {  	[tilespmem:s0], [sflag:$0x5] =	stream.linear.gather [hbm4b:s7+s5], $0x80, $0x38;
	[tilespmem:$0x1DC00] =	vst v63  }
0x2f: {  	s29 =	rddreg [dreg:$0xa];
	s4 =	simm.s32 $0x15880  }
0x30: {  	[tilespmem:s4], [sflag:$0x2] =	stream.linear.gather [hbm4b:s29+s5], $0x80, $0x38;
	[tilespmem:$0x1DC00] =	vst v63  }
0x31: {  	s7 =	rddreg [dreg:$0xb]  }
0x32: {  	[tilespmem:s6], [sflag:$0x6] =	stream.linear.gather [hbm4b:s7+s5], $0x80, $0x38;
	[tilespmem:$0x1DC00] =	vst v63  }
0x33: {  	s29 =	rddreg [dreg:$0xc];
	s7 =	simm.s32 $0x15900  }
0x34: {  	[tilespmem:s7], [sflag:$0x3] =	stream.linear.gather [hbm4b:s29+s5], $0x80, $0x38;
	[tilespmem:$0x1DC00] =	vst v63  }
0x35: {  	s29 =	rddreg [dreg:$0xd]  }
0x36: {  	[tilespmem:s8], [sflag:$0x7] =	stream.linear.gather [hbm4b:s29+s5], $0x80, $0x38;
	[tilespmem:$0x1DC00] =	vst v63  }
0x37: {  	s29 =	rddreg [dreg:$0xe]  }
0x38: {  	[tilespmem:s9], [sflag:$0x4] =	stream.linear.gather [hbm4b:s29+s5], $0x80, $0x38;
	[tilespmem:$0x1DC00] =	vst v63  }
0x39: {  	s29 =	rddreg [dreg:$0xf]  }
0x3a: {  	[tilespmem:s10], [sflag:$0x8] =	stream.linear.gather [hbm4b:s29+s5], $0x80, $0x38;
	[tilespmem:$0x1DC00] =	vst v63  }
0x3b: {  	s29 =	rddreg [dreg:$0x19]  }
0x3c: {  	s26 =	rddreg [dreg:$0x16];
	s29 =	sshrl.u32 s29, $0x3  }
0x3d: {  	[smem:$0x7FC] =	sst s29  }
0x3e: {  	[spmem:s29], [sflag:s28] =	dma.local [hbm:s26], $0x2800  }
0x3f: {  	_ =	swait.ge [sflag:s11], $0x2800  }
0x40: {  	s29 =	rddreg [dreg:$0x1a]  }
0x41: {  	[sflag:s11] =	ssyncset.done $0x0;
	s26 =	rddreg [dreg:$0x17];
	s29 =	sshrl.u32 s29, $0x3  }
0x42: {  	[sflag:s11] =	ssyncadd.s32 $0xFFFFD800;
	[smem:$0x7FD] =	sst s29  }
0x43: {  	[spmem:s29], [sflag:s28] =	dma.local [hbm:s26], $0x280  }
0x44: {  	_ =	swait.ge [sflag:s11], $0x280  }
0x45: {  	[sflag:s11] =	ssyncset.done $0x0  }
0x46: {  	s29 =	rddreg [dreg:$0x18];
	[sflag:s11] =	ssyncadd.s32 $0xFFFFFD80  }
0x47: {  	[tilespmem:s12], [sflag:$0xC] =	stream.linear.gather [hbm4b:s29+s5], $0x400, $0x38;
	[tilespmem:$0x1DC00] =	vst v63  }
0x48: {  	_ =	swait.ge [sflag:s11], $0x400  }
0x49: {  	[sflag:s11] =	ssyncset.done $0x0  }
0x4a: {  	[sflag:s11] =	ssyncadd.s32 $0xFFFFFC00  }
0x4b: {  	_ =	swait.ge [sflag:s13], $0x80  }
0x4c: {  	[sflag:s13] =	ssyncset.done $0x0  }
0x4d: {  	[sflag:s13] =	ssyncadd.s32 $0xFFFFFF80  }
0x4e: {  	[tilespmem:s15], [sflag:$0x9] =	stream.indirect.gather [hbm4b:s1+s14], $0x80, s31, s14, $0xb8;
	[tilespmem:$0x1DC00] =	vst v63  }
0x4f: {  	_ =	swait.ge [sflag:s16], $0x80  }
0x50: {  	[sflag:s16] =	ssyncset.done $0x0  }
0x51: {  	[sflag:s16] =	ssyncadd.s32 $0xFFFFFF80  }
0x52: {  	[tilespmem:s17], [sflag:$0xA] =	stream.indirect.gather [hbm4b:s1+s14], $0x80, s4, s14, $0xb8;
	[tilespmem:$0x1DC00] =	vst v63  }
0x53: {  	[bflag:$0x0] =	sbarrier.arrive $0xFFFF  }
0x54: {  	_ =	swait.ge [sflag:s18], $0x80  }
0x55: {  	[sflag:s18] =	ssyncset.done $0x0  }
0x56: {  	[sflag:s18] =	ssyncadd.s32 $0xFFFFFF80  }
0x57: {  	_ =	swait.ge [sflag:s19], $0x4000  }
0x58: {  	[sflag:s19] =	ssyncset.done $0x0  }
0x59: {  	[sflag:s19] =	ssyncadd.s32 $0xFFFFC000  }
0x5a: {  	[spmem:s2] =	stream.indirect.scatter.add.f32 [tilespmem:s15], [sflag:$0xC], $0x80, s0, s14, $0xb8;
	[tilespmem:$0x1DC00] =	vst v63  }
0x5b: {  	_ =	swait.ge [sflag:s11], $0x4000  }
0x5c: {  	[sflag:s11] =	ssyncset.done $0x0  }
0x5d: {  	[sflag:s11] =	ssyncadd.s32 $0xFFFFC000  }
0x5e: {  	[spmem:s3] =	stream.indirect.scatter.add.s16 [tilespmem:s12], [sflag:$0xC], $0x8, s0, s14, $0xb8;
	[tilespmem:$0x1DC00] =	vst v63  }
0x5f: {  	_ =	swait.ge [sflag:s11], $0x400  }
0x60: {  	s26 =	rddreg [dreg:$0x7]  }
0x61: {  	s28 =	rddreg [dreg:$0x6];
	[sflag:s11] =	ssyncset.done $0x0;
	s26 =	sadd.s32 $0x0, s26  }
0x62: {  	[sflag:s11] =	ssyncadd.s32 $0xFFFFFC00;
	s29 =	sadd.s32 $0x0, s28;
	s30 =	sadd.s32 $0x800, s26  }
0x63: {  	[tilespmem:s31], [sflag:$0x1] =	stream.linear.gather [hbm4b:s30+s5], $0x80, $0x38;
	[tilespmem:$0x1DC00] =	vst v63  }
0x64: {  	s30 =	sadd.s32 $0x800, s29  }
0x65: {  	[tilespmem:s0], [sflag:$0x5] =	stream.linear.gather [hbm4b:s30+s5], $0x80, $0x38;
	[tilespmem:$0x1DC00] =	vst v63  }
0x66: {  	_ =	swait.ge [sflag:s20], $0x80  }
0x67: {  	[sflag:s20] =	ssyncset.done $0x0  }
0x68: {  	[sflag:s20] =	ssyncadd.s32 $0xFFFFFF80  }
0x69: {  	[tilespmem:s15], [sflag:$0x9] =	stream.indirect.gather [hbm4b:s1+s14], $0x80, s7, s14, $0xb8;
	[tilespmem:$0x1DC00] =	vst v63  }
0x6a: {  	_ =	swait.ge [sflag:s21], $0x80  }
0x6b: {  	[sflag:s21] =	ssyncset.done $0x0  }
0x6c: {  	[sflag:s21] =	ssyncadd.s32 $0xFFFFFF80  }
0x6d: {  	_ =	swait.ge [sflag:s22], $0x4000  }
0x6e: {  	[sflag:s22] =	ssyncset.done $0x0  }
0x6f: {  	[sflag:s22] =	ssyncadd.s32 $0xFFFFC000  }
0x70: {  	[spmem:s2] =	stream.indirect.scatter.add.f32 [tilespmem:s17], [sflag:$0xC], $0x80, s6, s14, $0xb8;
	[tilespmem:$0x1DC00] =	vst v63  }
0x71: {  	_ =	swait.ge [sflag:s11], $0x4000  }
0x72: {  	[sflag:s11] =	ssyncset.done $0x0  }
0x73: {  	[sflag:s11] =	ssyncadd.s32 $0xFFFFC000  }
0x74: {  	[spmem:s3] =	stream.indirect.scatter.add.s16 [tilespmem:s12], [sflag:$0xC], $0x8, s6, s14, $0xb8;
	[tilespmem:$0x1DC00] =	vst v63  }
0x75: {  	_ =	swait.ge [sflag:s11], $0x400  }
0x76: {  	[sflag:s11] =	ssyncset.done $0x0  }
0x77: {  	s30 =	sadd.s32 $0xA00, s26;
	[sflag:s11] =	ssyncadd.s32 $0xFFFFFC00  }
0x78: {  	[tilespmem:s4], [sflag:$0x2] =	stream.linear.gather [hbm4b:s30+s5], $0x80, $0x38;
	[tilespmem:$0x1DC00] =	vst v63  }
0x79: {  	s30 =	sadd.s32 $0xA00, s29  }
0x7a: {  	[tilespmem:s6], [sflag:$0x6] =	stream.linear.gather [hbm4b:s30+s5], $0x80, $0x38;
	[tilespmem:$0x1DC00] =	vst v63  }
0x7b: {  	_ =	swait.ge [sflag:s23], $0x80  }
0x7c: {  	[sflag:s23] =	ssyncset.done $0x0  }
0x7d: {  	[sflag:s23] =	ssyncadd.s32 $0xFFFFFF80  }
0x7e: {  	[tilespmem:s17], [sflag:$0xA] =	stream.indirect.gather [hbm4b:s1+s14], $0x80, s9, s14, $0xb8;
	[tilespmem:$0x1DC00] =	vst v63  }
0x7f: {  	_ =	swait.ge [sflag:s24], $0x80  }
0x80: {  	[sflag:s24] =	ssyncset.done $0x0  }
0x81: {  	[sflag:s24] =	ssyncadd.s32 $0xFFFFFF80  }
0x82: {  	_ =	swait.ge [sflag:s19], $0x4000  }
0x83: {  	[sflag:s19] =	ssyncset.done $0x0  }
0x84: {  	[sflag:s19] =	ssyncadd.s32 $0xFFFFC000  }
0x85: {  	[spmem:s2] =	stream.indirect.scatter.add.f32 [tilespmem:s15], [sflag:$0xC], $0x80, s8, s14, $0xb8;
	[tilespmem:$0x1DC00] =	vst v63  }
0x86: {  	_ =	swait.ge [sflag:s11], $0x4000  }
0x87: {  	[sflag:s11] =	ssyncset.done $0x0  }
0x88: {  	[sflag:s11] =	ssyncadd.s32 $0xFFFFC000  }
0x89: {  	[spmem:s3] =	stream.indirect.scatter.add.s16 [tilespmem:s12], [sflag:$0xC], $0x8, s8, s14, $0xb8;
	[tilespmem:$0x1DC00] =	vst v63  }
0x8a: {  	_ =	swait.ge [sflag:s11], $0x400  }
0x8b: {  	[sflag:s11] =	ssyncset.done $0x0  }
0x8c: {  	s30 =	sadd.s32 $0xC00, s26;
	[sflag:s11] =	ssyncadd.s32 $0xFFFFFC00  }
0x8d: {  	[tilespmem:s7], [sflag:$0x3] =	stream.linear.gather [hbm4b:s30+s5], $0x80, $0x38;
	[tilespmem:$0x1DC00] =	vst v63  }
0x8e: {  	s30 =	sadd.s32 $0xC00, s29  }
0x8f: {  	[tilespmem:s8], [sflag:$0x7] =	stream.linear.gather [hbm4b:s30+s5], $0x80, $0x38;
	[tilespmem:$0x1DC00] =	vst v63  }
0x90: {  	_ =	swait.ge [sflag:s13], $0x80  }
0x91: {  	[sflag:s13] =	ssyncset.done $0x0  }
0x92: {  	[sflag:s13] =	ssyncadd.s32 $0xFFFFFF80  }
0x93: {  	[tilespmem:s15], [sflag:$0x9] =	stream.indirect.gather [hbm4b:s1+s14], $0x80, s31, s14, $0xb8;
	[tilespmem:$0x1DC00] =	vst v63  }
0x94: {  	_ =	swait.ge [sflag:s25], $0x80  }
0x95: {  	[sflag:s25] =	ssyncset.done $0x0  }
0x96: {  	[sflag:s25] =	ssyncadd.s32 $0xFFFFFF80  }
0x97: {  	_ =	swait.ge [sflag:s22], $0x4000  }
0x98: {  	[sflag:s22] =	ssyncset.done $0x0  }
0x99: {  	[sflag:s22] =	ssyncadd.s32 $0xFFFFC000  }
0x9a: {  	[spmem:s2] =	stream.indirect.scatter.add.f32 [tilespmem:s17], [sflag:$0xC], $0x80, s10, s14, $0xb8;
	[tilespmem:$0x1DC00] =	vst v63  }
0x9b: {  	_ =	swait.ge [sflag:s11], $0x4000  }
0x9c: {  	[sflag:s11] =	ssyncset.done $0x0  }
0x9d: {  	[sflag:s11] =	ssyncadd.s32 $0xFFFFC000  }
0x9e: {  	[spmem:s3] =	stream.indirect.scatter.add.s16 [tilespmem:s12], [sflag:$0xC], $0x8, s10, s14, $0xb8;
	[tilespmem:$0x1DC00] =	vst v63  }
0x9f: {  	_ =	swait.ge [sflag:s11], $0x400  }
0xa0: {  	[sflag:s11] =	ssyncset.done $0x0  }
0xa1: {  	s26 =	sadd.s32 $0xE00, s26;
	[sflag:s11] =	ssyncadd.s32 $0xFFFFFC00  }
0xa2: {  	[tilespmem:s9], [sflag:$0x4] =	stream.linear.gather [hbm4b:s26+s5], $0x80, $0x38;
	[tilespmem:$0x1DC00] =	vst v63  }
0xa3: {  	s31 =	sadd.s32 $0xE00, s29  }
0xa4: {  	[tilespmem:s10], [sflag:$0x8] =	stream.linear.gather [hbm4b:s31+s5], $0x80, $0x38;
	[tilespmem:$0x1DC00] =	vst v63  }
0xa5: {  	_ =	swait.ge [sflag:s16], $0x80  }
0xa6: {  	[sflag:s16] =	ssyncset.done $0x0  }
0xa7: {  	s30 =	simm.s32 $0x800;
	[sflag:s16] =	ssyncadd.s32 $0xFFFFFF80  }
.LBB2_2:
0xa8: {  	s7 =	simm.s32 $0x15880  }
0xa9: {  	[tilespmem:s17], [sflag:$0xA] =	stream.indirect.gather [hbm4b:s1+s14], $0x80, s7, s14, $0xb8;
	[tilespmem:$0x1DC00] =	vst v63  }
0xaa: {  	_ =	swait.ge [sflag:s18], $0x80  }
0xab: {  	[sflag:s18] =	ssyncset.done $0x0  }
0xac: {  	[sflag:s18] =	ssyncadd.s32 $0xFFFFFF80  }
0xad: {  	_ =	swait.ge [sflag:s19], $0x4000  }
0xae: {  	[sflag:s19] =	ssyncset.done $0x0  }
0xaf: {  	[sflag:s19] =	ssyncadd.s32 $0xFFFFC000  }
0xb0: {  	[spmem:s2] =	stream.indirect.scatter.add.f32 [tilespmem:s15], [sflag:$0xC], $0x80, s0, s14, $0xb8;
	[tilespmem:$0x1DC00] =	vst v63  }
0xb1: {  	_ =	swait.ge [sflag:s11], $0x4000  }
0xb2: {  	[sflag:s11] =	ssyncset.done $0x0  }
0xb3: {  	[sflag:s11] =	ssyncadd.s32 $0xFFFFC000  }
0xb4: {  	[spmem:s3] =	stream.indirect.scatter.add.s16 [tilespmem:s12], [sflag:$0xC], $0x8, s0, s14, $0xb8;
	[tilespmem:$0x1DC00] =	vst v63  }
0xb5: {  	_ =	swait.ge [sflag:s11], $0x400  }
0xb6: {  	s26 =	smov.u32 s30;
	s4 =	simm.s32 $0x15800;
	s29 =	rddreg [dreg:$0x7]  }
0xb7: {  	s28 =	rddreg [dreg:$0x6];
	[sflag:s11] =	ssyncset.done $0x0;
	s29 =	sadd.s32 s26, s29  }
0xb8: {  	[sflag:s11] =	ssyncadd.s32 $0xFFFFFC00;
	s26 =	sadd.s32 s26, s28;
	s31 =	sadd.s32 $0x800, s29  }
0xb9: {  	[tilespmem:s4], [sflag:$0x1] =	stream.linear.gather [hbm4b:s31+s5], $0x80, $0x38;
	[tilespmem:$0x1DC00] =	vst v63  }
0xba: {  	s28 =	sadd.s32 $0x800, s26  }
0xbb: {  	[tilespmem:s0], [sflag:$0x5] =	stream.linear.gather [hbm4b:s28+s5], $0x80, $0x38;
	[tilespmem:$0x1DC00] =	vst v63  }
0xbc: {  	_ =	swait.ge [sflag:s20], $0x80  }
0xbd: {  	[sflag:s20] =	ssyncset.done $0x0  }
0xbe: {  	s31 =	simm.s32 $0x15900;
	[sflag:s20] =	ssyncadd.s32 $0xFFFFFF80  }
0xbf: {  	[tilespmem:s15], [sflag:$0x9] =	stream.indirect.gather [hbm4b:s1+s14], $0x80, s31, s14, $0xb8;
	[tilespmem:$0x1DC00] =	vst v63  }
0xc0: {  	_ =	swait.ge [sflag:s21], $0x80  }
0xc1: {  	[sflag:s21] =	ssyncset.done $0x0  }
0xc2: {  	[sflag:s21] =	ssyncadd.s32 $0xFFFFFF80  }
0xc3: {  	_ =	swait.ge [sflag:s22], $0x4000  }
0xc4: {  	[sflag:s22] =	ssyncset.done $0x0  }
0xc5: {  	[sflag:s22] =	ssyncadd.s32 $0xFFFFC000  }
0xc6: {  	[spmem:s2] =	stream.indirect.scatter.add.f32 [tilespmem:s17], [sflag:$0xC], $0x80, s6, s14, $0xb8;
	[tilespmem:$0x1DC00] =	vst v63  }
0xc7: {  	_ =	swait.ge [sflag:s11], $0x4000  }
0xc8: {  	[sflag:s11] =	ssyncset.done $0x0  }
0xc9: {  	[sflag:s11] =	ssyncadd.s32 $0xFFFFC000  }
0xca: {  	[spmem:s3] =	stream.indirect.scatter.add.s16 [tilespmem:s12], [sflag:$0xC], $0x8, s6, s14, $0xb8;
	[tilespmem:$0x1DC00] =	vst v63  }
0xcb: {  	_ =	swait.ge [sflag:s11], $0x400  }
0xcc: {  	[sflag:s11] =	ssyncset.done $0x0  }
0xcd: {  	s28 =	sadd.s32 $0xA00, s29;
	[sflag:s11] =	ssyncadd.s32 $0xFFFFFC00  }
0xce: {  	[tilespmem:s7], [sflag:$0x2] =	stream.linear.gather [hbm4b:s28+s5], $0x80, $0x38;
	[tilespmem:$0x1DC00] =	vst v63  }
0xcf: {  	s7 =	sadd.s32 $0xA00, s26  }
0xd0: {  	[tilespmem:s6], [sflag:$0x6] =	stream.linear.gather [hbm4b:s7+s5], $0x80, $0x38;
	[tilespmem:$0x1DC00] =	vst v63  }
0xd1: {  	_ =	swait.ge [sflag:s23], $0x80  }
0xd2: {  	[sflag:s23] =	ssyncset.done $0x0  }
0xd3: {  	[sflag:s23] =	ssyncadd.s32 $0xFFFFFF80  }
0xd4: {  	[tilespmem:s17], [sflag:$0xA] =	stream.indirect.gather [hbm4b:s1+s14], $0x80, s9, s14, $0xb8;
	[tilespmem:$0x1DC00] =	vst v63  }
0xd5: {  	_ =	swait.ge [sflag:s24], $0x80  }
0xd6: {  	[sflag:s24] =	ssyncset.done $0x0  }
0xd7: {  	[sflag:s24] =	ssyncadd.s32 $0xFFFFFF80  }
0xd8: {  	_ =	swait.ge [sflag:s19], $0x4000  }
0xd9: {  	[sflag:s19] =	ssyncset.done $0x0  }
0xda: {  	[sflag:s19] =	ssyncadd.s32 $0xFFFFC000  }
0xdb: {  	[spmem:s2] =	stream.indirect.scatter.add.f32 [tilespmem:s15], [sflag:$0xC], $0x80, s8, s14, $0xb8;
	[tilespmem:$0x1DC00] =	vst v63  }
0xdc: {  	_ =	swait.ge [sflag:s11], $0x4000  }
0xdd: {  	[sflag:s11] =	ssyncset.done $0x0  }
0xde: {  	[sflag:s11] =	ssyncadd.s32 $0xFFFFC000  }
0xdf: {  	[spmem:s3] =	stream.indirect.scatter.add.s16 [tilespmem:s12], [sflag:$0xC], $0x8, s8, s14, $0xb8;
	[tilespmem:$0x1DC00] =	vst v63  }
0xe0: {  	_ =	swait.ge [sflag:s11], $0x400  }
0xe1: {  	[sflag:s11] =	ssyncset.done $0x0  }
0xe2: {  	s7 =	sadd.s32 $0xC00, s29;
	[sflag:s11] =	ssyncadd.s32 $0xFFFFFC00  }
0xe3: {  	[tilespmem:s31], [sflag:$0x3] =	stream.linear.gather [hbm4b:s7+s5], $0x80, $0x38;
	[tilespmem:$0x1DC00] =	vst v63  }
0xe4: {  	s7 =	sadd.s32 $0xC00, s26  }
0xe5: {  	[tilespmem:s8], [sflag:$0x7] =	stream.linear.gather [hbm4b:s7+s5], $0x80, $0x38;
	[tilespmem:$0x1DC00] =	vst v63  }
0xe6: {  	_ =	swait.ge [sflag:s13], $0x80  }
0xe7: {  	[sflag:s13] =	ssyncset.done $0x0  }
0xe8: {  	[sflag:s13] =	ssyncadd.s32 $0xFFFFFF80  }
0xe9: {  	[tilespmem:s15], [sflag:$0x9] =	stream.indirect.gather [hbm4b:s1+s14], $0x80, s4, s14, $0xb8;
	[tilespmem:$0x1DC00] =	vst v63  }
0xea: {  	_ =	swait.ge [sflag:s25], $0x80  }
0xeb: {  	[sflag:s25] =	ssyncset.done $0x0  }
0xec: {  	[sflag:s25] =	ssyncadd.s32 $0xFFFFFF80  }
0xed: {  	_ =	swait.ge [sflag:s22], $0x4000  }
0xee: {  	[sflag:s22] =	ssyncset.done $0x0  }
0xef: {  	[sflag:s22] =	ssyncadd.s32 $0xFFFFC000  }
0xf0: {  	[spmem:s2] =	stream.indirect.scatter.add.f32 [tilespmem:s17], [sflag:$0xC], $0x80, s10, s14, $0xb8;
	[tilespmem:$0x1DC00] =	vst v63  }
0xf1: {  	_ =	swait.ge [sflag:s11], $0x4000  }
0xf2: {  	[sflag:s11] =	ssyncset.done $0x0  }
0xf3: {  	[sflag:s11] =	ssyncadd.s32 $0xFFFFC000  }
0xf4: {  	[spmem:s3] =	stream.indirect.scatter.add.s16 [tilespmem:s12], [sflag:$0xC], $0x8, s10, s14, $0xb8;
	[tilespmem:$0x1DC00] =	vst v63  }
0xf5: {  	_ =	swait.ge [sflag:s11], $0x400  }
0xf6: {  	[sflag:s11] =	ssyncset.done $0x0  }
0xf7: {  	p1 =	sne.s32 s30, $0x8800;
	s31 =	sadd.s32 $0xE00, s29;
	[sflag:s11] =	ssyncadd.s32 $0xFFFFFC00  }
0xf8: {  	[tilespmem:s9], [sflag:$0x4] =	stream.linear.gather [hbm4b:s31+s5], $0x80, $0x38;
	[tilespmem:$0x1DC00] =	vst v63  }
.Ltmp0:
0xf9: {  	s26 =	sadd.s32 $0xE00, s26;
	(pc) =	sbr.rel @p1 .LBB2_2-.Ltmp0, $4  }
0xfa: {  	[tilespmem:s10], [sflag:$0x8] =	stream.linear.gather [hbm4b:s26+s5], $0x80, $0x38;
	[tilespmem:$0x1DC00] =	vst v63  }
0xfb: {  	_ =	swait.ge [sflag:s16], $0x80  }
0xfc: {  	[sflag:s16] =	ssyncset.done $0x0  }
0xfd: {  	s30 =	sadd.s32 $0x800, s30;
	[sflag:s16] =	ssyncadd.s32 $0xFFFFFF80  }
0xfe: {  	s7 =	simm.s32 $0x15880  }
0xff: {  	[tilespmem:s17], [sflag:$0xA] =	stream.indirect.gather [hbm4b:s1+s14], $0x80, s7, s14, $0xb8;
	[tilespmem:$0x1DC00] =	vst v63  }
0x100: {  	_ =	swait.ge [sflag:s18], $0x80  }
0x101: {  	[sflag:s18] =	ssyncset.done $0x0  }
0x102: {  	[sflag:s18] =	ssyncadd.s32 $0xFFFFFF80  }
0x103: {  	_ =	swait.ge [sflag:s19], $0x4000  }
0x104: {  	[sflag:s19] =	ssyncset.done $0x0  }
0x105: {  	[sflag:s19] =	ssyncadd.s32 $0xFFFFC000  }
0x106: {  	[spmem:s2] =	stream.indirect.scatter.add.f32 [tilespmem:s15], [sflag:$0xC], $0x80, s0, s14, $0xb8;
	[tilespmem:$0x1DC00] =	vst v63  }
0x107: {  	_ =	swait.ge [sflag:s11], $0x4000  }
0x108: {  	[sflag:s11] =	ssyncset.done $0x0  }
0x109: {  	[sflag:s11] =	ssyncadd.s32 $0xFFFFC000  }
0x10a: {  	[spmem:s3] =	stream.indirect.scatter.add.s16 [tilespmem:s12], [sflag:$0xC], $0x8, s0, s14, $0xb8;
	[tilespmem:$0x1DC00] =	vst v63  }
0x10b: {  	_ =	swait.ge [sflag:s11], $0x400  }
0x10c: {  	[sflag:s11] =	ssyncset.done $0x0  }
0x10d: {  	s4 =	simm.s32 $0x15800;
	s26 =	rddreg [dreg:$0x10];
	[sflag:s11] =	ssyncadd.s32 $0xFFFFFC00  }
0x10e: {  	[tilespmem:s4], [sflag:$0x1] =	stream.linear.gather [hbm4b:s26+s5], $0x80, $0x38;
	[tilespmem:$0x1DC00] =	vst v63  }
0x10f: {  	s30 =	rddreg [dreg:$0x11]  }
0x110: {  	[tilespmem:s0], [sflag:$0x5] =	stream.linear.gather [hbm4b:s30+s5], $0x80, $0x38;
	[tilespmem:$0x1DC00] =	vst v63  }
0x111: {  	_ =	swait.ge [sflag:s20], $0x80  }
0x112: {  	[sflag:s20] =	ssyncset.done $0x0  }
0x113: {  	s28 =	simm.s32 $0x15900;
	[sflag:s20] =	ssyncadd.s32 $0xFFFFFF80  }
0x114: {  	[tilespmem:s15], [sflag:$0x9] =	stream.indirect.gather [hbm4b:s1+s14], $0x80, s28, s14, $0xb8;
	[tilespmem:$0x1DC00] =	vst v63  }
0x115: {  	_ =	swait.ge [sflag:s21], $0x80  }
0x116: {  	[sflag:s21] =	ssyncset.done $0x0  }
0x117: {  	[sflag:s21] =	ssyncadd.s32 $0xFFFFFF80  }
0x118: {  	_ =	swait.ge [sflag:s22], $0x4000  }
0x119: {  	[sflag:s22] =	ssyncset.done $0x0  }
0x11a: {  	[sflag:s22] =	ssyncadd.s32 $0xFFFFC000  }
0x11b: {  	[spmem:s2] =	stream.indirect.scatter.add.f32 [tilespmem:s17], [sflag:$0xC], $0x80, s6, s14, $0xb8;
	[tilespmem:$0x1DC00] =	vst v63  }
0x11c: {  	_ =	swait.ge [sflag:s11], $0x4000  }
0x11d: {  	[sflag:s11] =	ssyncset.done $0x0  }
0x11e: {  	[sflag:s11] =	ssyncadd.s32 $0xFFFFC000  }
0x11f: {  	[spmem:s3] =	stream.indirect.scatter.add.s16 [tilespmem:s12], [sflag:$0xC], $0x8, s6, s14, $0xb8;
	[tilespmem:$0x1DC00] =	vst v63  }
0x120: {  	_ =	swait.ge [sflag:s11], $0x400  }
0x121: {  	[sflag:s11] =	ssyncset.done $0x0  }
0x122: {  	s31 =	rddreg [dreg:$0x12];
	[sflag:s11] =	ssyncadd.s32 $0xFFFFFC00  }
0x123: {  	[tilespmem:s7], [sflag:$0x2] =	stream.linear.gather [hbm4b:s31+s5], $0x80, $0x38;
	[tilespmem:$0x1DC00] =	vst v63  }
0x124: {  	s29 =	rddreg [dreg:$0x13]  }
0x125: {  	[tilespmem:s6], [sflag:$0x6] =	stream.linear.gather [hbm4b:s29+s5], $0x80, $0x38;
	[tilespmem:$0x1DC00] =	vst v63  }
0x126: {  	_ =	swait.ge [sflag:s23], $0x80  }
0x127: {  	[sflag:s23] =	ssyncset.done $0x0  }
0x128: {  	[sflag:s23] =	ssyncadd.s32 $0xFFFFFF80  }
0x129: {  	[tilespmem:s17], [sflag:$0xA] =	stream.indirect.gather [hbm4b:s1+s14], $0x80, s9, s14, $0xb8;
	[tilespmem:$0x1DC00] =	vst v63  }
0x12a: {  	_ =	swait.ge [sflag:s24], $0x80  }
0x12b: {  	[sflag:s24] =	ssyncset.done $0x0  }
0x12c: {  	[sflag:s24] =	ssyncadd.s32 $0xFFFFFF80  }
0x12d: {  	_ =	swait.ge [sflag:s19], $0x4000  }
0x12e: {  	[sflag:s19] =	ssyncset.done $0x0  }
0x12f: {  	[sflag:s19] =	ssyncadd.s32 $0xFFFFC000  }
0x130: {  	[spmem:s2] =	stream.indirect.scatter.add.f32 [tilespmem:s15], [sflag:$0xC], $0x80, s8, s14, $0xb8;
	[tilespmem:$0x1DC00] =	vst v63  }
0x131: {  	_ =	swait.ge [sflag:s11], $0x4000  }
0x132: {  	[sflag:s11] =	ssyncset.done $0x0  }
0x133: {  	[sflag:s11] =	ssyncadd.s32 $0xFFFFC000  }
0x134: {  	[spmem:s3] =	stream.indirect.scatter.add.s16 [tilespmem:s12], [sflag:$0xC], $0x8, s8, s14, $0xb8;
	[tilespmem:$0x1DC00] =	vst v63  }
0x135: {  	_ =	swait.ge [sflag:s11], $0x400  }
0x136: {  	[sflag:s11] =	ssyncset.done $0x0  }
0x137: {  	s30 =	rddreg [dreg:$0x15];
	[sflag:s11] =	ssyncadd.s32 $0xFFFFFC00  }
0x138: {  	[tilespmem:s28], [sflag:$0x3] =	stream.linear.gather [hbm4b:s30+s5], $0x80, $0x38;
	[tilespmem:$0x1DC00] =	vst v63  }
0x139: {  	s31 =	rddreg [dreg:$0x14]  }
0x13a: {  	[tilespmem:s8], [sflag:$0x7] =	stream.linear.gather [hbm4b:s31+s5], $0x80, $0x38;
	[tilespmem:$0x1DC00] =	vst v63  }
0x13b: {  	_ =	swait.ge [sflag:s13], $0x80  }
0x13c: {  	[sflag:s13] =	ssyncset.done $0x0  }
0x13d: {  	[sflag:s13] =	ssyncadd.s32 $0xFFFFFF80  }
0x13e: {  	[tilespmem:s15], [sflag:$0x9] =	stream.indirect.gather [hbm4b:s1+s14], $0x80, s4, s14, $0xb8;
	[tilespmem:$0x1DC00] =	vst v63  }
0x13f: {  	_ =	swait.ge [sflag:s25], $0x80  }
0x140: {  	[sflag:s25] =	ssyncset.done $0x0  }
0x141: {  	[sflag:s25] =	ssyncadd.s32 $0xFFFFFF80  }
0x142: {  	_ =	swait.ge [sflag:s22], $0x4000  }
0x143: {  	[sflag:s22] =	ssyncset.done $0x0  }
0x144: {  	[sflag:s22] =	ssyncadd.s32 $0xFFFFC000  }
0x145: {  	[spmem:s2] =	stream.indirect.scatter.add.f32 [tilespmem:s17], [sflag:$0xC], $0x80, s10, s14, $0xb8;
	[tilespmem:$0x1DC00] =	vst v63  }
0x146: {  	_ =	swait.ge [sflag:s11], $0x4000  }
0x147: {  	[sflag:s11] =	ssyncset.done $0x0  }
0x148: {  	[sflag:s11] =	ssyncadd.s32 $0xFFFFC000  }
0x149: {  	[spmem:s3] =	stream.indirect.scatter.add.s16 [tilespmem:s12], [sflag:$0xC], $0x8, s10, s14, $0xb8;
	[tilespmem:$0x1DC00] =	vst v63  }
0x14a: {  	_ =	swait.ge [sflag:s11], $0x400  }
0x14b: {  	[sflag:s11] =	ssyncset.done $0x0  }
0x14c: {  	[sflag:s11] =	ssyncadd.s32 $0xFFFFFC00  }
0x14d: {  	_ =	swait.ge [sflag:s16], $0x80  }
0x14e: {  	[sflag:s16] =	ssyncset.done $0x0  }
0x14f: {  	[sflag:s16] =	ssyncadd.s32 $0xFFFFFF80  }
0x150: {  	[tilespmem:s17], [sflag:$0xA] =	stream.indirect.gather [hbm4b:s1+s14], $0x80, s7, s14, $0xb8;
	[tilespmem:$0x1DC00] =	vst v63  }
0x151: {  	_ =	swait.ge [sflag:s18], $0x80  }
0x152: {  	[sflag:s18] =	ssyncset.done $0x0  }
0x153: {  	[sflag:s18] =	ssyncadd.s32 $0xFFFFFF80  }
0x154: {  	_ =	swait.ge [sflag:s19], $0x4000  }
0x155: {  	[sflag:s19] =	ssyncset.done $0x0  }
0x156: {  	[sflag:s19] =	ssyncadd.s32 $0xFFFFC000  }
0x157: {  	[spmem:s2] =	stream.indirect.scatter.add.f32 [tilespmem:s15], [sflag:$0xC], $0x80, s0, s14, $0xb8;
	[tilespmem:$0x1DC00] =	vst v63  }
0x158: {  	_ =	swait.ge [sflag:s11], $0x4000  }
0x159: {  	[sflag:s11] =	ssyncset.done $0x0  }
0x15a: {  	[sflag:s11] =	ssyncadd.s32 $0xFFFFC000  }
0x15b: {  	[spmem:s3] =	stream.indirect.scatter.add.s16 [tilespmem:s12], [sflag:$0xC], $0x8, s0, s14, $0xb8;
	[tilespmem:$0x1DC00] =	vst v63  }
0x15c: {  	_ =	swait.ge [sflag:s11], $0x400  }
0x15d: {  	[sflag:s11] =	ssyncset.done $0x0  }
0x15e: {  	[sflag:s11] =	ssyncadd.s32 $0xFFFFFC00  }
0x15f: {  	_ =	swait.ge [sflag:s20], $0x80  }
0x160: {  	[sflag:s20] =	ssyncset.done $0x0  }
0x161: {  	[sflag:s20] =	ssyncadd.s32 $0xFFFFFF80  }
0x162: {  	[tilespmem:s15], [sflag:$0x9] =	stream.indirect.gather [hbm4b:s1+s14], $0x80, s28, s14, $0xb8;
	[tilespmem:$0x1DC00] =	vst v63  }
0x163: {  	_ =	swait.ge [sflag:s21], $0x80  }
0x164: {  	[sflag:s21] =	ssyncset.done $0x0  }
0x165: {  	[sflag:s21] =	ssyncadd.s32 $0xFFFFFF80  }
0x166: {  	_ =	swait.ge [sflag:s22], $0x4000  }
0x167: {  	[sflag:s22] =	ssyncset.done $0x0  }
0x168: {  	[sflag:s22] =	ssyncadd.s32 $0xFFFFC000  }
0x169: {  	[spmem:s2] =	stream.indirect.scatter.add.f32 [tilespmem:s17], [sflag:$0xC], $0x80, s6, s14, $0xb8;
	[tilespmem:$0x1DC00] =	vst v63  }
0x16a: {  	_ =	swait.ge [sflag:s11], $0x4000  }
0x16b: {  	[sflag:s11] =	ssyncset.done $0x0  }
0x16c: {  	[sflag:s11] =	ssyncadd.s32 $0xFFFFC000  }
0x16d: {  	[spmem:s3] =	stream.indirect.scatter.add.s16 [tilespmem:s12], [sflag:$0xC], $0x8, s6, s14, $0xb8;
	[tilespmem:$0x1DC00] =	vst v63  }
0x16e: {  	_ =	swait.ge [sflag:s11], $0x400  }
0x16f: {  	[sflag:s11] =	ssyncset.done $0x0  }
0x170: {  	[sflag:s11] =	ssyncadd.s32 $0xFFFFFC00  }
0x171: {  	_ =	swait.ge [sflag:s24], $0x80  }
0x172: {  	[sflag:s24] =	ssyncset.done $0x0  }
0x173: {  	[sflag:s24] =	ssyncadd.s32 $0xFFFFFF80  }
0x174: {  	_ =	swait.ge [sflag:s19], $0x4000  }
0x175: {  	v0 =	vlaneseq.u32 @!p0;
	[sflag:s19] =	ssyncset.done $0x0  }
0x176: {  	v1 =	vor.u32 @!p0 $0x2710, v0;
	[sflag:s19] =	ssyncadd.s32 $0xFFFFC000  }
0x177: {  	[tilespmem:$0x15B00] =	vst @!p0 v1;
	v1 =	vor.u32 @!p0 $0x2720, v0  }
0x178: {  	[tilespmem:$0x15B10] =	vst @!p0 v1;
	v1 =	vor.u32 @!p0 $0x2730, v0  }
0x179: {  	[tilespmem:$0x15B20] =	vst @!p0 v1;
	v1 =	vor.u32 @!p0 $0x2740, v0  }
0x17a: {  	[tilespmem:$0x15B30] =	vst @!p0 v1;
	v1 =	vor.u32 @!p0 $0x2750, v0  }
0x17b: {  	[tilespmem:$0x15B40] =	vst @!p0 v1;
	v1 =	vor.u32 @!p0 $0x2760, v0  }
0x17c: {  	[tilespmem:$0x15B50] =	vst @!p0 v1;
	v1 =	vor.u32 @!p0 $0x2770, v0  }
0x17d: {  	v0 =	vor.u32 @!p0 $0x2780, v0;
	[tilespmem:$0x15B60] =	vst @!p0 v1  }
0x17e: {  	[tilespmem:$0x15B70] =	vst @!p0 v0  }
0x17f: {  	[spmem:s2] =	stream.indirect.scatter.add.f32 [tilespmem:s15], [sflag:$0xC], $0x80, s8, s14, $0xb8;
	[tilespmem:$0x1DC00] =	vst v63  }
0x180: {  	_ =	swait.ge [sflag:s11], $0x4000  }
0x181: {  	[sflag:s11] =	ssyncset.done $0x0  }
0x182: {  	[sflag:s11] =	ssyncadd.s32 $0xFFFFC000  }
0x183: {  	[spmem:s3] =	stream.indirect.scatter.add.s16 [tilespmem:s12], [sflag:$0xC], $0x8, s8, s14, $0xb8;
	[tilespmem:$0x1DC00] =	vst v63  }
0x184: {  	_ =	swait.ge [sflag:s11], $0x400  }
0x185: {  	[sflag:s11] =	ssyncset.done $0x0  }
0x186: {  	[sflag:s11] =	ssyncadd.s32 $0xFFFFFC00  }
0x187: {  	[bflag:$0x0] =	sbarrier.arrive $0xFFFF  }
0x188: {  	s7 =	sld [smem:$0x7FC]  }
0x189: {  	s4 =	rddreg [dreg:$0x1e]  }
0x18a: {  	s28 =	rddreg [dreg:$0x1b];
	s26 =	sor.u32 $0x1C0B, s4  }
0x18b: {  	[hbm:s28], [sflag:s26] =	dma.local [spmem:s7], $0x2800  }
0x18c: {  	s4 =	sld [smem:$0x7FD]  }
0x18d: {  	s26 =	rddreg [dreg:$0x1c]  }
0x18e: {  	s28 =	rddreg [dreg:$0x1f]  }
0x18f: {  	[hbm:s26], [sflag:s28] =	dma.local [spmem:s4], $0x280  }
0x190: {  	_ =	swait.ge [sflag:s11], $0x280  }
0x191: {  	[sflag:s11] =	ssyncset.done $0x0  }
0x192: {  	s29 =	simm.s32 $0xB;
	[sflag:s11] =	ssyncadd.s32 $0xFFFFFD80  }
0x193: {  	_ =	swait.ge [sflag:s29], $0x2800  }
0x194: {  	s30 =	sld [smem:$0x7FB];
	_ =	sdelay $0x2  }
0x195: {  	s31 =	rddreg [dreg:$0x1d];
	s7 =	sadd.s32 $0x1, s30  }
0x196: {  	p1 =	sne.s32 s7, s31  }
.Ltmp1:
0x197: {  	_ = 	snop;
	(pc) =	sbr.rel @p1 .LBB2_1-.Ltmp1, $3  }
0x198: {  	_ =	sdelay $0x1  }
0x199: {  	[sflag:s29] =	ssyncset.done $0x0  }
0x19a: {  	[sflag:s29] =	ssyncadd.s32 $0xFFFFD800  }
0x19b: {  	_ =	sfence.sel $0x180000  }
0x19c: {  	[bflag:$0x0] =	sbarrier.arrive $0xFFFF  }
0x19d: {  	_ =	strace $0x90000047  }
0x19e: {  	s0 =	stileid.u32;
	[bflag:$0x2] =	sbarrier.arrive $0xFFFF  }
0x19f: {  	p0 =	sne.s32 s0, $0x0;
	s0 =	rddreg [dreg:$0x5]  }
0x1a0: {  	s0 =	sadd.s32 @!p0 $0x100000, s0  }
0x1a1: {  	[sflag:s0] =	ssyncadd.tile.s32 @!p0 $0x1;
	_ =	shalt  }
.Lfunc_end2:
_tile_overlayer_lowered:
.L_overlay_start_2:
0x1a2: {  	(tag) =	ssettag $0x2  }
0x1a3: {  	s0 =	rddreg [dreg:$0x0];
	s2 =	stileid.u32  }
0x1a4: {  	s1 =	rddreg [dreg:$0x1];
	p0 =	sne.s32 s2, $0x0  }
0x1a5: {  	s3 =	rddreg [dreg:$0x2];
	[bflag:$0x3] =	sbarrier.arrive $0xFFFF;
	s2 =	simm.s32 @!p0 $0x1C0C  }
0x1a6: {  	[timem:s3], [sflag:s2] =	dma.local @!p0 [hbm:s0], s1  }
0x1a7: {  	s0 =	simm.s32 @!p0 $0xC  }
0x1a8: {  	_ =	swait.ge @!p0 [sflag:s0], s1  }
0x1a9: {  	s1 =	ssub.s32 @!p0 $0x0, s1;
	[sflag:s0] =	ssyncset.done @!p0 $0x0  }
0x1aa: {  	[sflag:s0] =	ssyncadd.s32 @!p0 s1  }
0x1ab: {  	[bflag:$0x3] =	sbarrier.arrive $0xFFFF  }
0x1ac: {  	_ =	shalt  }

</sc_bundles>
